<compile_context>
chip_gen: v7x
topology: tpu7x:2x2x1
jax: 0.10.2.dev20260603
libtpu: 0.0.44.dev20260713+nightly
codegen_flags: <defaults>
</compile_context>

<pallas_src>
import functools

import jax
import jax.numpy as jnp
from jax import lax
from jax.experimental import pallas as pl
from jax.experimental.pallas import tpu as pltpu
from jax.experimental.pallas import tpu_sc as plsc

N_NODES = 10000
N_EDGES = 320000
D = 128

NC, NS = 2, 16
NW = NC * NS
NPAD = 10240
CHUNK = 128
NCHUNK = 2560
CPW = NCHUNK // NW
TROWS = NPAD // NS

_mesh = plsc.VectorSubcoreMesh(
    core_axis_name="c", subcore_axis_name="s", num_cores=NC, num_subcores=NS
)


HALF = NPAD // 2
SEG = HALF // NS


@functools.partial(
    pl.kernel,
    mesh=_mesh,
    out_type=jax.ShapeDtypeStruct((NC, NPAD, D), jnp.float32),
    scratch_types=[
        pltpu.VMEM((CPW, CHUNK), jnp.int32),
        pltpu.VMEM((CHUNK, D), jnp.float32),
        pltpu.VMEM_SHARED((NPAD, D), jnp.float32),
        pltpu.SemaphoreType.DMA,
    ],
)
def _deg_kernel(dst_hbm, ones_hbm, zeros_hbm, out_hbm, dst_v, ones_v, acc, sem):
    c = lax.axis_index("c")
    s = lax.axis_index("s")
    w = s * NC + c
    pltpu.sync_copy(dst_hbm.at[pl.ds(w * CPW, CPW)], dst_v)
    pltpu.sync_copy(ones_hbm, ones_v)
    pltpu.sync_copy(zeros_hbm, acc.at[pl.ds(s * TROWS, TROWS)])
    plsc.subcore_barrier()

    for k in range(3):
        pltpu.async_copy(ones_v, acc.at[dst_v.at[k]], sem, add=True)

    def body(j, carry):
        @pl.when(j < CPW - 3)
        def _():
            pltpu.async_copy(ones_v, acc.at[dst_v.at[j + 3]], sem, add=True)

        pltpu.make_async_copy(ones_v, acc.at[dst_v.at[j]], sem).wait()
        return carry

    lax.fori_loop(0, CPW, body, 0)
    plsc.subcore_barrier()
    pltpu.sync_copy(
        acc.at[pl.ds(s * TROWS, TROWS)], out_hbm.at[c, pl.ds(s * TROWS, TROWS)]
    )


@functools.partial(
    pl.kernel,
    mesh=_mesh,
    out_type=jax.ShapeDtypeStruct((NC, NPAD, D), jnp.float32),
    scratch_types=[
        pltpu.VMEM(((CPW + 1) // 2, CHUNK), jnp.int32),
        pltpu.VMEM(((CPW + 1) // 2, CHUNK), jnp.int32),
        pltpu.VMEM((CHUNK, D), jnp.float32),
        pltpu.VMEM((CHUNK, D), jnp.float32),
        pltpu.VMEM_SHARED((NPAD, D), jnp.float32),
        pltpu.SemaphoreType.DMA,
        pltpu.SemaphoreType.DMA,
        pltpu.SemaphoreType.DMA,
        pltpu.SemaphoreType.DMA,
    ],
)
def _mp_kernel(h_hbm, src_hbm, dst_hbm, zeros_hbm, out_hbm,
               src_v, dst_v, g0, g1, acc, sg0, sg1, ss0, ss1):
    c = lax.axis_index("c")
    s = lax.axis_index("s")
    w = s * NC + c
    pltpu.sync_copy(zeros_hbm, acc.at[pl.ds(s * TROWS, TROWS)])
    plsc.subcore_barrier()

    half0 = (CPW + 1) // 2
    for h_i, half in enumerate((half0, CPW - half0)):
        base = w * CPW + h_i * half0
        pltpu.sync_copy(src_hbm.at[pl.ds(base, half)],
                        src_v.at[pl.ds(0, half)])
        pltpu.sync_copy(dst_hbm.at[pl.ds(base, half)],
                        dst_v.at[pl.ds(0, half)])
        npair = half // 2
        pltpu.async_copy(h_hbm.at[src_v.at[0]], g0, sg0)

        def body(g, carry):
            j0 = 2 * g
            j1 = j0 + 1
            pltpu.async_copy(h_hbm.at[src_v.at[j1]], g1, sg1)
            pltpu.make_async_copy(h_hbm.at[src_v.at[j0]], g0, sg0).wait()
            pltpu.async_copy(g0, acc.at[dst_v.at[j0]], ss0, add=True)
            pltpu.make_async_copy(h_hbm.at[src_v.at[j1]], g1, sg1).wait()
            pltpu.async_copy(g1, acc.at[dst_v.at[j1]], ss1, add=True)
            pltpu.make_async_copy(g0, acc.at[dst_v.at[j0]], ss0).wait()

            @pl.when(g < npair - 1)
            def _():
                pltpu.async_copy(h_hbm.at[src_v.at[j0 + 2]], g0, sg0)

            pltpu.make_async_copy(g1, acc.at[dst_v.at[j1]], ss1).wait()
            return carry

        lax.fori_loop(0, npair, body, 0)
        if half % 2 == 1:
            j = half - 1
            pltpu.async_copy(h_hbm.at[src_v.at[j]], g0, sg0)
            pltpu.make_async_copy(h_hbm.at[src_v.at[j]], g0, sg0).wait()
            pltpu.async_copy(g0, acc.at[dst_v.at[j]], ss0, add=True)
            pltpu.make_async_copy(g0, acc.at[dst_v.at[j]], ss0).wait()
    plsc.subcore_barrier()
    pltpu.sync_copy(
        acc.at[pl.ds(s * TROWS, TROWS)], out_hbm.at[c, pl.ds(s * TROWS, TROWS)]
    )


BM = 1280


def _k1_body(x_ref, w_ref, degp_ref, h1s_ref, dis_ref):
    deg = degp_ref[0][:, 0:1] + degp_ref[1][:, 0:1] + 1.0
    dis = lax.rsqrt(deg)
    dis_ref[...] = jnp.broadcast_to(dis, (BM, 8))
    h = jnp.dot(x_ref[...], w_ref[...], preferred_element_type=jnp.float32)
    h1s_ref[...] = h * dis


def _k2_body(p_ref, h1s_ref, dis_ref, b1_ref, w2_ref, h2s_ref):
    dis = dis_ref[...][:, 0:1]
    a = (p_ref[0] + p_ref[1] + h1s_ref[...]) * dis + b1_ref[...]
    a = jnp.maximum(a, 0.0)
    h2 = jnp.dot(a, w2_ref[...], preferred_element_type=jnp.float32)
    h2s_ref[...] = h2 * dis


def _k3_body(q_ref, h2s_ref, dis_ref, b2_ref, out_ref):
    dis = dis_ref[...][:, 0:1]
    out_ref[...] = (q_ref[0] + q_ref[1] + h2s_ref[...]) * dis + b2_ref[...]


_row_spec = pl.BlockSpec((BM, D), lambda i: (i, 0))
_pair_spec = pl.BlockSpec((NC, BM, D), lambda i: (0, i, 0))
_deg_spec = pl.BlockSpec((NC, BM, D), lambda i: (0, i, 0))
_dis_spec = pl.BlockSpec((BM, 8), lambda i: (i, 0))
_w_spec = pl.BlockSpec((D, D), lambda i: (0, 0))
_b_spec = pl.BlockSpec((1, D), lambda i: (0, 0))

_k1 = pl.pallas_call(
    _k1_body,
    grid=(NPAD // BM,),
    in_specs=[_row_spec, _w_spec, _deg_spec],
    out_specs=[_row_spec, _dis_spec],
    out_shape=[jax.ShapeDtypeStruct((NPAD, D), jnp.float32),
               jax.ShapeDtypeStruct((NPAD, 8), jnp.float32)],
)

_k2 = pl.pallas_call(
    _k2_body,
    grid=(NPAD // BM,),
    in_specs=[_pair_spec, _row_spec, _dis_spec, _b_spec, _w_spec],
    out_specs=_row_spec,
    out_shape=jax.ShapeDtypeStruct((NPAD, D), jnp.float32),
)

_k3 = pl.pallas_call(
    _k3_body,
    grid=(NPAD // BM,),
    in_specs=[_pair_spec, _row_spec, _dis_spec, _b_spec],
    out_specs=_row_spec,
    out_shape=jax.ShapeDtypeStruct((NPAD, D), jnp.float32),
)


def kernel(x, edge_index, W1, b1, W2, b2):
    ei = edge_index.astype(jnp.int32)
    npad_extra = NPAD - N_NODES
    pad_n = NCHUNK * CHUNK - N_EDGES
    pad_lane = jnp.arange(pad_n, dtype=jnp.int32) % npad_extra
    src = jnp.concatenate([ei[0], N_NODES + pad_lane]).reshape(NCHUNK, CHUNK)
    dstf = jnp.concatenate([ei[1], N_NODES + pad_lane])
    dst = dstf.reshape(NCHUNK, CHUNK)

    xp = jnp.pad(x, ((0, npad_extra), (0, 0)))
    ones_deg = jnp.ones((CHUNK, D), jnp.float32)
    zeros_row = jnp.zeros((TROWS, D), jnp.float32)
    b1r = b1.reshape(1, D)
    b2r = b2.reshape(1, D)

    degp = _deg_kernel(dst, ones_deg, zeros_row)
    h1s, dis = _k1(xp, W1, degp)
    p = _mp_kernel(h1s, src, dst, zeros_row)
    h2s = _k2(p, h1s, dis, b1r, W2)
    q = _mp_kernel(h2s, src, dst, zeros_row)
    out = _k3(q, h2s, dis, b2r)
    return out[:N_NODES]

# --- scband reference (transcript-rebuilt; emitter-appended) ---
"""Pipeline reference for scband-gcn-22995254903253 (READ-ONLY COPY).

The authoritative reference and input builder live on the scoring server;
editing this copy changes nothing except your own understanding.
"""

import jax, jax.numpy as jnp
import numpy as np

N_NODES = 10000
N_EDGES = 320000
D = 128


def gcn_conv(x, edge_index, W, b):
    N = x.shape[0]
    src = edge_index[0]
    dst = edge_index[1]
    # add self-loops (PyG GCNConv default add_self_loops=True)
    loop = jnp.arange(N, dtype=edge_index.dtype)
    src = jnp.concatenate([src, loop])
    dst = jnp.concatenate([dst, loop])
    # linear transform
    h = x @ W
    # symmetric normalization: deg computed at dst (col)
    deg = jax.ops.segment_sum(jnp.ones_like(dst, dtype=h.dtype), dst, num_segments=N)
    deg_inv_sqrt = jnp.where(deg > 0, 1.0 / jnp.sqrt(deg), 0.0)
    norm = deg_inv_sqrt[src] * deg_inv_sqrt[dst]
    # message passing: gather from src, scale, scatter-add at dst
    msg = h[src] * norm[:, None]
    out = jax.ops.segment_sum(msg, dst, num_segments=N)
    return out + b


def setup_inputs(seed: int = 0) -> dict:
    key = jax.random.key(seed)
    k_x, k_e, k_w1, k_b1, k_w2, k_b2 = jax.random.split(key, 6)
    x = jax.random.normal(k_x, (N_NODES, D), dtype=jnp.float32)
    edge_index = jax.random.randint(k_e, (2, N_EDGES), 0, N_NODES, dtype=jnp.int64)
    glorot = 1.0 / np.sqrt(D)
    W1 = jax.random.uniform(k_w1, (D, D), dtype=jnp.float32, minval=-glorot, maxval=glorot)
    b1 = jnp.zeros((D,), dtype=jnp.float32)
    W2 = jax.random.uniform(k_w2, (D, D), dtype=jnp.float32, minval=-glorot, maxval=glorot)
    b2 = jnp.zeros((D,), dtype=jnp.float32)
    return {"x": x, "edge_index": edge_index, "W1": W1, "b1": b1, "W2": W2, "b2": b2}


def reference(x, edge_index, W1, b1, W2, b2):
    # layer 0 + relu (dropout is identity in eval)
    h = gcn_conv(x, edge_index, W1, b1)
    h = jax.nn.relu(h)
    # layer 1 (last layer: no relu/dropout)
    h = gcn_conv(h, edge_index, W2, b2)
    return h

if __name__ == "__main__":
    import jax
    _d = setup_inputs()
    print(jax.jit(kernel)(*tuple(_d.values())))

</pallas_src>

<mosaic_0001>
#map = affine_map<(d0, d1) -> (0, 0)>
#map1 = affine_map<(d0, d1) -> (0, 0, 0)>
module attributes {stable_mosaic.version = 14 : i64} {
  func.func @_mp_kernel(%arg0: i32, %arg1: i32, %arg2: memref<10240x128xf32, #tpu.memory_space<hbm>>, %arg3: memref<2560x128xi32, #tpu.memory_space<hbm>>, %arg4: memref<2560x128xi32, #tpu.memory_space<hbm>>, %arg5: memref<640x128xf32, #tpu.memory_space<hbm>>, %arg6: memref<2x10240x128xf32, #tpu.memory_space<hbm>>, %arg7: memref<40x128xi32, #tpu.memory_space<vmem>>, %arg8: memref<40x128xi32, #tpu.memory_space<vmem>>, %arg9: memref<128x128xf32, #tpu.memory_space<vmem>>, %arg10: memref<128x128xf32, #tpu.memory_space<vmem>>, %arg11: memref<10240x128xf32, #tpu.memory_space<vmem_shared>>, %arg12: memref<!tpu.dma_semaphore, #tpu.memory_space<semaphore_mem>>, %arg13: memref<!tpu.dma_semaphore, #tpu.memory_space<semaphore_mem>>, %arg14: memref<!tpu.dma_semaphore, #tpu.memory_space<semaphore_mem>>, %arg15: memref<!tpu.dma_semaphore, #tpu.memory_space<semaphore_mem>>) attributes {dimension_semantics = [#tpu.dimension_semantics<core_parallel>, #tpu.dimension_semantics<subcore_parallel>], iteration_bounds = array<i64: 2, 16>, scalar_prefetch = 0 : i64, scratch_operands = 9 : i64, tpu.core_type = #tpu.core_type<sc_vector_subcore>, window_params = [{transform_indices = #map}, {transform_indices = #map}, {transform_indices = #map}, {transform_indices = #map}, {transform_indices = #map1}]} {
    %mul3A = arith.constant 2 : i32
    %mul3A_0 = arith.muli %arg1, %mul3A : i32
    %add3A = arith.addi %mul3A_0, %arg0 : i32
    %mul3A_1 = arith.constant 640 : i32
    %mul3A_2 = arith.muli %arg1, %mul3A_1 : i32
    "tpu.region"() ({
      %run_scoped3A = tpu.sem_alloc : memref<!tpu.dma_semaphore, #tpu.memory_space<semaphore_mem>>
      %dma_start3A_40 = arith.constant 0 : i32
      %dma_start3A_41 = tpu.memref_slice %arg11[%mul3A_2, %dma_start3A_40] : memref<10240x128xf32, #tpu.memory_space<vmem_shared>> -> memref<640x128xf32, #tpu.memory_space<vmem_shared>>
      tpu.enqueue_dma source(%arg5 : memref<640x128xf32, #tpu.memory_space<hbm>>) target(%dma_start3A_41 : memref<640x128xf32, #tpu.memory_space<vmem_shared>>) target_semaphore(%run_scoped3A : memref<!tpu.dma_semaphore, #tpu.memory_space<semaphore_mem>>)
      %dma_wait3A = arith.constant 0 : i32
      %dma_wait3A_42 = tpu.memref_slice %arg11[%mul3A_2, %dma_wait3A] : memref<10240x128xf32, #tpu.memory_space<vmem_shared>> -> memref<640x128xf32, #tpu.memory_space<vmem_shared>>
      tpu.wait_dma2 semaphore(%run_scoped3A : memref<!tpu.dma_semaphore, #tpu.memory_space<semaphore_mem>>) src(%arg5 : memref<640x128xf32, #tpu.memory_space<hbm>>) dst(%dma_wait3A_42 : memref<640x128xf32, #tpu.memory_space<vmem_shared>>)
      tpu.yield
    }) : () -> ()
    %barrier3A = arith.constant 0 : index
    tpu.barrier barrier_id(%barrier3A)
    %mul3A_3 = arith.constant 80 : i32
    %mul3A_4 = arith.muli %add3A, %mul3A_3 : i32
    %add3A_5 = arith.constant 0 : i32
    %add3A_6 = arith.addi %mul3A_4, %add3A_5 : i32
    "tpu.region"() ({
      %run_scoped3A = tpu.sem_alloc : memref<!tpu.dma_semaphore, #tpu.memory_space<semaphore_mem>>
      %dma_start3A_40 = arith.constant 0 : i32
      %dma_start3A_41 = arith.constant 0 : i32
      %dma_start3A_42 = tpu.memref_slice %arg7[%dma_start3A_40, %dma_start3A_41] : memref<40x128xi32, #tpu.memory_space<vmem>> -> memref<40x128xi32, #tpu.memory_space<vmem>>
      %dma_start3A_43 = arith.constant 0 : i32
      %dma_start3A_44 = tpu.memref_slice %arg3[%add3A_6, %dma_start3A_43] : memref<2560x128xi32, #tpu.memory_space<hbm>> -> memref<40x128xi32, #tpu.memory_space<hbm>>
      %dma_start3A_45 = arith.constant 0 : i32
      %dma_start3A_46 = arith.constant 0 : i32
      %dma_start3A_47 = tpu.memref_slice %arg7[%dma_start3A_45, %dma_start3A_46] : memref<40x128xi32, #tpu.memory_space<vmem>> -> memref<40x128xi32, #tpu.memory_space<vmem>>
      %dma_start3A_48 = arith.constant 0 : i32
      %dma_start3A_49 = tpu.memref_slice %arg3[%add3A_6, %dma_start3A_48] : memref<2560x128xi32, #tpu.memory_space<hbm>> -> memref<40x128xi32, #tpu.memory_space<hbm>>
      tpu.enqueue_dma source(%dma_start3A_49 : memref<40x128xi32, #tpu.memory_space<hbm>>) target(%dma_start3A_47 : memref<40x128xi32, #tpu.memory_space<vmem>>) target_semaphore(%run_scoped3A : memref<!tpu.dma_semaphore, #tpu.memory_space<semaphore_mem>>)
      %dma_wait3A = arith.constant 0 : i32
      %dma_wait3A_50 = arith.constant 0 : i32
      %dma_wait3A_51 = tpu.memref_slice %arg7[%dma_wait3A, %dma_wait3A_50] : memref<40x128xi32, #tpu.memory_space<vmem>> -> memref<40x128xi32, #tpu.memory_space<vmem>>
      %dma_wait3A_52 = arith.constant 0 : i32
      %dma_wait3A_53 = tpu.memref_slice %arg3[%add3A_6, %dma_wait3A_52] : memref<2560x128xi32, #tpu.memory_space<hbm>> -> memref<40x128xi32, #tpu.memory_space<hbm>>
      %dma_wait3A_54 = arith.constant 0 : i32
      %dma_wait3A_55 = arith.constant 0 : i32
      %dma_wait3A_56 = tpu.memref_slice %arg7[%dma_wait3A_54, %dma_wait3A_55] : memref<40x128xi32, #tpu.memory_space<vmem>> -> memref<40x128xi32, #tpu.memory_space<vmem>>
      %dma_wait3A_57 = arith.constant 0 : i32
      %dma_wait3A_58 = tpu.memref_slice %arg3[%add3A_6, %dma_wait3A_57] : memref<2560x128xi32, #tpu.memory_space<hbm>> -> memref<40x128xi32, #tpu.memory_space<hbm>>
      tpu.wait_dma2 semaphore(%run_scoped3A : memref<!tpu.dma_semaphore, #tpu.memory_space<semaphore_mem>>) src(%dma_wait3A_58 : memref<40x128xi32, #tpu.memory_space<hbm>>) dst(%dma_wait3A_56 : memref<40x128xi32, #tpu.memory_space<vmem>>)
      tpu.yield
    }) : () -> ()
    "tpu.region"() ({
      %run_scoped3A = tpu.sem_alloc : memref<!tpu.dma_semaphore, #tpu.memory_space<semaphore_mem>>
      %dma_start3A_40 = arith.constant 0 : i32
      %dma_start3A_41 = arith.constant 0 : i32
      %dma_start3A_42 = tpu.memref_slice %arg8[%dma_start3A_40, %dma_start3A_41] : memref<40x128xi32, #tpu.memory_space<vmem>> -> memref<40x128xi32, #tpu.memory_space<vmem>>
      %dma_start3A_43 = arith.constant 0 : i32
      %dma_start3A_44 = tpu.memref_slice %arg4[%add3A_6, %dma_start3A_43] : memref<2560x128xi32, #tpu.memory_space<hbm>> -> memref<40x128xi32, #tpu.memory_space<hbm>>
      %dma_start3A_45 = arith.constant 0 : i32
      %dma_start3A_46 = arith.constant 0 : i32
      %dma_start3A_47 = tpu.memref_slice %arg8[%dma_start3A_45, %dma_start3A_46] : memref<40x128xi32, #tpu.memory_space<vmem>> -> memref<40x128xi32, #tpu.memory_space<vmem>>
      %dma_start3A_48 = arith.constant 0 : i32
      %dma_start3A_49 = tpu.memref_slice %arg4[%add3A_6, %dma_start3A_48] : memref<2560x128xi32, #tpu.memory_space<hbm>> -> memref<40x128xi32, #tpu.memory_space<hbm>>
      tpu.enqueue_dma source(%dma_start3A_49 : memref<40x128xi32, #tpu.memory_space<hbm>>) target(%dma_start3A_47 : memref<40x128xi32, #tpu.memory_space<vmem>>) target_semaphore(%run_scoped3A : memref<!tpu.dma_semaphore, #tpu.memory_space<semaphore_mem>>)
      %dma_wait3A = arith.constant 0 : i32
      %dma_wait3A_50 = arith.constant 0 : i32
      %dma_wait3A_51 = tpu.memref_slice %arg8[%dma_wait3A, %dma_wait3A_50] : memref<40x128xi32, #tpu.memory_space<vmem>> -> memref<40x128xi32, #tpu.memory_space<vmem>>
      %dma_wait3A_52 = arith.constant 0 : i32
      %dma_wait3A_53 = tpu.memref_slice %arg4[%add3A_6, %dma_wait3A_52] : memref<2560x128xi32, #tpu.memory_space<hbm>> -> memref<40x128xi32, #tpu.memory_space<hbm>>
      %dma_wait3A_54 = arith.constant 0 : i32
      %dma_wait3A_55 = arith.constant 0 : i32
      %dma_wait3A_56 = tpu.memref_slice %arg8[%dma_wait3A_54, %dma_wait3A_55] : memref<40x128xi32, #tpu.memory_space<vmem>> -> memref<40x128xi32, #tpu.memory_space<vmem>>
      %dma_wait3A_57 = arith.constant 0 : i32
      %dma_wait3A_58 = tpu.memref_slice %arg4[%add3A_6, %dma_wait3A_57] : memref<2560x128xi32, #tpu.memory_space<hbm>> -> memref<40x128xi32, #tpu.memory_space<hbm>>
      tpu.wait_dma2 semaphore(%run_scoped3A : memref<!tpu.dma_semaphore, #tpu.memory_space<semaphore_mem>>) src(%dma_wait3A_58 : memref<40x128xi32, #tpu.memory_space<hbm>>) dst(%dma_wait3A_56 : memref<40x128xi32, #tpu.memory_space<vmem>>)
      tpu.yield
    }) : () -> ()
    %dma_start3A = arith.constant 0 : i32
    %dma_start3A_7 = arith.constant 0 : i32
    %dma_start3A_8 = tpu.memref_slice %arg7[%dma_start3A, %dma_start3A_7] : memref<40x128xi32, #tpu.memory_space<vmem>> -> memref<1x128xi32, #tpu.memory_space<vmem>>
    %dma_start3A_9 = tpu.memref_squeeze %dma_start3A_8 : memref<1x128xi32, #tpu.memory_space<vmem>> -> memref<128xi32, #tpu.memory_space<vmem>>
    %dma_start3A_10 = arith.constant 0 : i32
    %dma_start3A_11 = arith.constant 0 : i32
    %dma_start3A_12 = tpu.memref_slice %arg2[%dma_start3A_10, %dma_start3A_11] : memref<10240x128xf32, #tpu.memory_space<hbm>> -> memref<10240x128xf32, #tpu.memory_space<hbm>>
    tpu.enqueue_indirect_dma source(%dma_start3A_12 : memref<10240x128xf32, #tpu.memory_space<hbm>>) target(%arg9 : memref<128x128xf32, #tpu.memory_space<vmem>>) offsets(%dma_start3A_9 : memref<128xi32, #tpu.memory_space<vmem>>) semaphore(%arg12 : memref<!tpu.dma_semaphore, #tpu.memory_space<semaphore_mem>>)
    %scan3A = arith.constant 0 : i32
    %scan3A_13 = arith.constant 0 : i32
    %scan3A_14 = arith.constant 20 : i32
    %scan3A_15 = arith.addi %scan3A_13, %scan3A_14 : i32
    %scan3A_16 = arith.constant 1 : i32
    scf.for %scan3A_40 = %scan3A_13 to %scan3A_15 step %scan3A_16  : i32 {
      %mul3A_41 = arith.constant 2 : i32
      %mul3A_42 = arith.muli %mul3A_41, %scan3A_40 : i32
      %add3A_43 = arith.constant 1 : i32
      %add3A_44 = arith.addi %mul3A_42, %add3A_43 : i32
      %dma_start3A_45 = arith.constant 0 : i32
      %dma_start3A_46 = tpu.memref_slice %arg7[%add3A_44, %dma_start3A_45] : memref<40x128xi32, #tpu.memory_space<vmem>> -> memref<1x128xi32, #tpu.memory_space<vmem>>
      %dma_start3A_47 = tpu.memref_squeeze %dma_start3A_46 : memref<1x128xi32, #tpu.memory_space<vmem>> -> memref<128xi32, #tpu.memory_space<vmem>>
      %dma_start3A_48 = arith.constant 0 : i32
      %dma_start3A_49 = arith.constant 0 : i32
      %dma_start3A_50 = tpu.memref_slice %arg2[%dma_start3A_48, %dma_start3A_49] : memref<10240x128xf32, #tpu.memory_space<hbm>> -> memref<10240x128xf32, #tpu.memory_space<hbm>>
      tpu.enqueue_indirect_dma source(%dma_start3A_50 : memref<10240x128xf32, #tpu.memory_space<hbm>>) target(%arg10 : memref<128x128xf32, #tpu.memory_space<vmem>>) offsets(%dma_start3A_47 : memref<128xi32, #tpu.memory_space<vmem>>) semaphore(%arg13 : memref<!tpu.dma_semaphore, #tpu.memory_space<semaphore_mem>>)
      %dma_wait3A = arith.constant 0 : i32
      %dma_wait3A_51 = tpu.memref_slice %arg7[%mul3A_42, %dma_wait3A] : memref<40x128xi32, #tpu.memory_space<vmem>> -> memref<1x128xi32, #tpu.memory_space<vmem>>
      %dma_wait3A_52 = tpu.memref_squeeze %dma_wait3A_51 : memref<1x128xi32, #tpu.memory_space<vmem>> -> memref<128xi32, #tpu.memory_space<vmem>>
      %dma_wait3A_53 = arith.constant 0 : i32
      %dma_wait3A_54 = arith.constant 0 : i32
      %dma_wait3A_55 = tpu.memref_slice %arg2[%dma_wait3A_53, %dma_wait3A_54] : memref<10240x128xf32, #tpu.memory_space<hbm>> -> memref<10240x128xf32, #tpu.memory_space<hbm>>
      tpu.wait_indirect_dma semaphore(%arg12 : memref<!tpu.dma_semaphore, #tpu.memory_space<semaphore_mem>>) src(%dma_wait3A_55 : memref<10240x128xf32, #tpu.memory_space<hbm>>) dst(%arg9 : memref<128x128xf32, #tpu.memory_space<vmem>>)
      %dma_start3A_56 = arith.constant 0 : i32
      %dma_start3A_57 = tpu.memref_slice %arg8[%mul3A_42, %dma_start3A_56] : memref<40x128xi32, #tpu.memory_space<vmem>> -> memref<1x128xi32, #tpu.memory_space<vmem>>
      %dma_start3A_58 = tpu.memref_squeeze %dma_start3A_57 : memref<1x128xi32, #tpu.memory_space<vmem>> -> memref<128xi32, #tpu.memory_space<vmem>>
      %dma_start3A_59 = arith.constant 0 : i32
      %dma_start3A_60 = arith.constant 0 : i32
      %dma_start3A_61 = tpu.memref_slice %arg11[%dma_start3A_59, %dma_start3A_60] : memref<10240x128xf32, #tpu.memory_space<vmem_shared>> -> memref<10240x128xf32, #tpu.memory_space<vmem_shared>>
      tpu.enqueue_indirect_dma source(%arg9 : memref<128x128xf32, #tpu.memory_space<vmem>>) target(%dma_start3A_61 : memref<10240x128xf32, #tpu.memory_space<vmem_shared>>) offsets(%dma_start3A_58 : memref<128xi32, #tpu.memory_space<vmem>>) semaphore(%arg14 : memref<!tpu.dma_semaphore, #tpu.memory_space<semaphore_mem>>) {add = true}
      %dma_wait3A_62 = arith.constant 0 : i32
      %dma_wait3A_63 = tpu.memref_slice %arg7[%add3A_44, %dma_wait3A_62] : memref<40x128xi32, #tpu.memory_space<vmem>> -> memref<1x128xi32, #tpu.memory_space<vmem>>
      %dma_wait3A_64 = tpu.memref_squeeze %dma_wait3A_63 : memref<1x128xi32, #tpu.memory_space<vmem>> -> memref<128xi32, #tpu.memory_space<vmem>>
      %dma_wait3A_65 = arith.constant 0 : i32
      %dma_wait3A_66 = arith.constant 0 : i32
      %dma_wait3A_67 = tpu.memref_slice %arg2[%dma_wait3A_65, %dma_wait3A_66] : memref<10240x128xf32, #tpu.memory_space<hbm>> -> memref<10240x128xf32, #tpu.memory_space<hbm>>
      tpu.wait_indirect_dma semaphore(%arg13 : memref<!tpu.dma_semaphore, #tpu.memory_space<semaphore_mem>>) src(%dma_wait3A_67 : memref<10240x128xf32, #tpu.memory_space<hbm>>) dst(%arg10 : memref<128x128xf32, #tpu.memory_space<vmem>>)
      %dma_start3A_68 = arith.constant 0 : i32
      %dma_start3A_69 = tpu.memref_slice %arg8[%add3A_44, %dma_start3A_68] : memref<40x128xi32, #tpu.memory_space<vmem>> -> memref<1x128xi32, #tpu.memory_space<vmem>>
      %dma_start3A_70 = tpu.memref_squeeze %dma_start3A_69 : memref<1x128xi32, #tpu.memory_space<vmem>> -> memref<128xi32, #tpu.memory_space<vmem>>
      %dma_start3A_71 = arith.constant 0 : i32
      %dma_start3A_72 = arith.constant 0 : i32
      %dma_start3A_73 = tpu.memref_slice %arg11[%dma_start3A_71, %dma_start3A_72] : memref<10240x128xf32, #tpu.memory_space<vmem_shared>> -> memref<10240x128xf32, #tpu.memory_space<vmem_shared>>
      tpu.enqueue_indirect_dma source(%arg10 : memref<128x128xf32, #tpu.memory_space<vmem>>) target(%dma_start3A_73 : memref<10240x128xf32, #tpu.memory_space<vmem_shared>>) offsets(%dma_start3A_70 : memref<128xi32, #tpu.memory_space<vmem>>) semaphore(%arg15 : memref<!tpu.dma_semaphore, #tpu.memory_space<semaphore_mem>>) {add = true}
      %dma_wait3A_74 = arith.constant 0 : i32
      %dma_wait3A_75 = tpu.memref_slice %arg8[%mul3A_42, %dma_wait3A_74] : memref<40x128xi32, #tpu.memory_space<vmem>> -> memref<1x128xi32, #tpu.memory_space<vmem>>
      %dma_wait3A_76 = tpu.memref_squeeze %dma_wait3A_75 : memref<1x128xi32, #tpu.memory_space<vmem>> -> memref<128xi32, #tpu.memory_space<vmem>>
      %dma_wait3A_77 = arith.constant 0 : i32
      %dma_wait3A_78 = arith.constant 0 : i32
      %dma_wait3A_79 = tpu.memref_slice %arg11[%dma_wait3A_77, %dma_wait3A_78] : memref<10240x128xf32, #tpu.memory_space<vmem_shared>> -> memref<10240x128xf32, #tpu.memory_space<vmem_shared>>
      tpu.wait_indirect_dma semaphore(%arg14 : memref<!tpu.dma_semaphore, #tpu.memory_space<semaphore_mem>>) src(%arg9 : memref<128x128xf32, #tpu.memory_space<vmem>>) dst(%dma_wait3A_79 : memref<10240x128xf32, #tpu.memory_space<vmem_shared>>)
      %lt3A = arith.constant 19 : i32
      %lt3A_80 = arith.cmpi slt, %scan3A_40, %lt3A : i32
      %convert_element_type3A = arith.extui %lt3A_80 : i1 to i32
      %cond3A = arith.constant 0 : i32
      %cond3A_81 = arith.cmpi ne, %convert_element_type3A, %cond3A : i32
      scf.if %cond3A_81 {
        %add3A_88 = arith.constant 2 : i32
        %add3A_89 = arith.addi %mul3A_42, %add3A_88 : i32
        %dma_start3A_90 = arith.constant 0 : i32
        %dma_start3A_91 = tpu.memref_slice %arg7[%add3A_89, %dma_start3A_90] : memref<40x128xi32, #tpu.memory_space<vmem>> -> memref<1x128xi32, #tpu.memory_space<vmem>>
        %dma_start3A_92 = tpu.memref_squeeze %dma_start3A_91 : memref<1x128xi32, #tpu.memory_space<vmem>> -> memref<128xi32, #tpu.memory_space<vmem>>
        %dma_start3A_93 = arith.constant 0 : i32
        %dma_start3A_94 = arith.constant 0 : i32
        %dma_start3A_95 = tpu.memref_slice %arg2[%dma_start3A_93, %dma_start3A_94] : memref<10240x128xf32, #tpu.memory_space<hbm>> -> memref<10240x128xf32, #tpu.memory_space<hbm>>
        tpu.enqueue_indirect_dma source(%dma_start3A_95 : memref<10240x128xf32, #tpu.memory_space<hbm>>) target(%arg9 : memref<128x128xf32, #tpu.memory_space<vmem>>) offsets(%dma_start3A_92 : memref<128xi32, #tpu.memory_space<vmem>>) semaphore(%arg12 : memref<!tpu.dma_semaphore, #tpu.memory_space<semaphore_mem>>)
      } else {
      }
      %dma_wait3A_82 = arith.constant 0 : i32
      %dma_wait3A_83 = tpu.memref_slice %arg8[%add3A_44, %dma_wait3A_82] : memref<40x128xi32, #tpu.memory_space<vmem>> -> memref<1x128xi32, #tpu.memory_space<vmem>>
      %dma_wait3A_84 = tpu.memref_squeeze %dma_wait3A_83 : memref<1x128xi32, #tpu.memory_space<vmem>> -> memref<128xi32, #tpu.memory_space<vmem>>
      %dma_wait3A_85 = arith.constant 0 : i32
      %dma_wait3A_86 = arith.constant 0 : i32
      %dma_wait3A_87 = tpu.memref_slice %arg11[%dma_wait3A_85, %dma_wait3A_86] : memref<10240x128xf32, #tpu.memory_space<vmem_shared>> -> memref<10240x128xf32, #tpu.memory_space<vmem_shared>>
      tpu.wait_indirect_dma semaphore(%arg15 : memref<!tpu.dma_semaphore, #tpu.memory_space<semaphore_mem>>) src(%arg10 : memref<128x128xf32, #tpu.memory_space<vmem>>) dst(%dma_wait3A_87 : memref<10240x128xf32, #tpu.memory_space<vmem_shared>>)
    }
    %scan3A_17 = arith.constant 20 : i32
    %mul3A_18 = arith.constant 80 : i32
    %mul3A_19 = arith.muli %add3A, %mul3A_18 : i32
    %add3A_20 = arith.constant 40 : i32
    %add3A_21 = arith.addi %mul3A_19, %add3A_20 : i32
    "tpu.region"() ({
      %run_scoped3A = tpu.sem_alloc : memref<!tpu.dma_semaphore, #tpu.memory_space<semaphore_mem>>
      %dma_start3A_40 = arith.constant 0 : i32
      %dma_start3A_41 = arith.constant 0 : i32
      %dma_start3A_42 = tpu.memref_slice %arg7[%dma_start3A_40, %dma_start3A_41] : memref<40x128xi32, #tpu.memory_space<vmem>> -> memref<40x128xi32, #tpu.memory_space<vmem>>
      %dma_start3A_43 = arith.constant 0 : i32
      %dma_start3A_44 = tpu.memref_slice %arg3[%add3A_21, %dma_start3A_43] : memref<2560x128xi32, #tpu.memory_space<hbm>> -> memref<40x128xi32, #tpu.memory_space<hbm>>
      %dma_start3A_45 = arith.constant 0 : i32
      %dma_start3A_46 = arith.constant 0 : i32
      %dma_start3A_47 = tpu.memref_slice %arg7[%dma_start3A_45, %dma_start3A_46] : memref<40x128xi32, #tpu.memory_space<vmem>> -> memref<40x128xi32, #tpu.memory_space<vmem>>
      %dma_start3A_48 = arith.constant 0 : i32
      %dma_start3A_49 = tpu.memref_slice %arg3[%add3A_21, %dma_start3A_48] : memref<2560x128xi32, #tpu.memory_space<hbm>> -> memref<40x128xi32, #tpu.memory_space<hbm>>
      tpu.enqueue_dma source(%dma_start3A_49 : memref<40x128xi32, #tpu.memory_space<hbm>>) target(%dma_start3A_47 : memref<40x128xi32, #tpu.memory_space<vmem>>) target_semaphore(%run_scoped3A : memref<!tpu.dma_semaphore, #tpu.memory_space<semaphore_mem>>)
      %dma_wait3A = arith.constant 0 : i32
      %dma_wait3A_50 = arith.constant 0 : i32
      %dma_wait3A_51 = tpu.memref_slice %arg7[%dma_wait3A, %dma_wait3A_50] : memref<40x128xi32, #tpu.memory_space<vmem>> -> memref<40x128xi32, #tpu.memory_space<vmem>>
      %dma_wait3A_52 = arith.constant 0 : i32
      %dma_wait3A_53 = tpu.memref_slice %arg3[%add3A_21, %dma_wait3A_52] : memref<2560x128xi32, #tpu.memory_space<hbm>> -> memref<40x128xi32, #tpu.memory_space<hbm>>
      %dma_wait3A_54 = arith.constant 0 : i32
      %dma_wait3A_55 = arith.constant 0 : i32
      %dma_wait3A_56 = tpu.memref_slice %arg7[%dma_wait3A_54, %dma_wait3A_55] : memref<40x128xi32, #tpu.memory_space<vmem>> -> memref<40x128xi32, #tpu.memory_space<vmem>>
      %dma_wait3A_57 = arith.constant 0 : i32
      %dma_wait3A_58 = tpu.memref_slice %arg3[%add3A_21, %dma_wait3A_57] : memref<2560x128xi32, #tpu.memory_space<hbm>> -> memref<40x128xi32, #tpu.memory_space<hbm>>
      tpu.wait_dma2 semaphore(%run_scoped3A : memref<!tpu.dma_semaphore, #tpu.memory_space<semaphore_mem>>) src(%dma_wait3A_58 : memref<40x128xi32, #tpu.memory_space<hbm>>) dst(%dma_wait3A_56 : memref<40x128xi32, #tpu.memory_space<vmem>>)
      tpu.yield
    }) : () -> ()
    "tpu.region"() ({
      %run_scoped3A = tpu.sem_alloc : memref<!tpu.dma_semaphore, #tpu.memory_space<semaphore_mem>>
      %dma_start3A_40 = arith.constant 0 : i32
      %dma_start3A_41 = arith.constant 0 : i32
      %dma_start3A_42 = tpu.memref_slice %arg8[%dma_start3A_40, %dma_start3A_41] : memref<40x128xi32, #tpu.memory_space<vmem>> -> memref<40x128xi32, #tpu.memory_space<vmem>>
      %dma_start3A_43 = arith.constant 0 : i32
      %dma_start3A_44 = tpu.memref_slice %arg4[%add3A_21, %dma_start3A_43] : memref<2560x128xi32, #tpu.memory_space<hbm>> -> memref<40x128xi32, #tpu.memory_space<hbm>>
      %dma_start3A_45 = arith.constant 0 : i32
      %dma_start3A_46 = arith.constant 0 : i32
      %dma_start3A_47 = tpu.memref_slice %arg8[%dma_start3A_45, %dma_start3A_46] : memref<40x128xi32, #tpu.memory_space<vmem>> -> memref<40x128xi32, #tpu.memory_space<vmem>>
      %dma_start3A_48 = arith.constant 0 : i32
      %dma_start3A_49 = tpu.memref_slice %arg4[%add3A_21, %dma_start3A_48] : memref<2560x128xi32, #tpu.memory_space<hbm>> -> memref<40x128xi32, #tpu.memory_space<hbm>>
      tpu.enqueue_dma source(%dma_start3A_49 : memref<40x128xi32, #tpu.memory_space<hbm>>) target(%dma_start3A_47 : memref<40x128xi32, #tpu.memory_space<vmem>>) target_semaphore(%run_scoped3A : memref<!tpu.dma_semaphore, #tpu.memory_space<semaphore_mem>>)
      %dma_wait3A = arith.constant 0 : i32
      %dma_wait3A_50 = arith.constant 0 : i32
      %dma_wait3A_51 = tpu.memref_slice %arg8[%dma_wait3A, %dma_wait3A_50] : memref<40x128xi32, #tpu.memory_space<vmem>> -> memref<40x128xi32, #tpu.memory_space<vmem>>
      %dma_wait3A_52 = arith.constant 0 : i32
      %dma_wait3A_53 = tpu.memref_slice %arg4[%add3A_21, %dma_wait3A_52] : memref<2560x128xi32, #tpu.memory_space<hbm>> -> memref<40x128xi32, #tpu.memory_space<hbm>>
      %dma_wait3A_54 = arith.constant 0 : i32
      %dma_wait3A_55 = arith.constant 0 : i32
      %dma_wait3A_56 = tpu.memref_slice %arg8[%dma_wait3A_54, %dma_wait3A_55] : memref<40x128xi32, #tpu.memory_space<vmem>> -> memref<40x128xi32, #tpu.memory_space<vmem>>
      %dma_wait3A_57 = arith.constant 0 : i32
      %dma_wait3A_58 = tpu.memref_slice %arg4[%add3A_21, %dma_wait3A_57] : memref<2560x128xi32, #tpu.memory_space<hbm>> -> memref<40x128xi32, #tpu.memory_space<hbm>>
      tpu.wait_dma2 semaphore(%run_scoped3A : memref<!tpu.dma_semaphore, #tpu.memory_space<semaphore_mem>>) src(%dma_wait3A_58 : memref<40x128xi32, #tpu.memory_space<hbm>>) dst(%dma_wait3A_56 : memref<40x128xi32, #tpu.memory_space<vmem>>)
      tpu.yield
    }) : () -> ()
    %dma_start3A_22 = arith.constant 0 : i32
    %dma_start3A_23 = arith.constant 0 : i32
    %dma_start3A_24 = tpu.memref_slice %arg7[%dma_start3A_22, %dma_start3A_23] : memref<40x128xi32, #tpu.memory_space<vmem>> -> memref<1x128xi32, #tpu.memory_space<vmem>>
    %dma_start3A_25 = tpu.memref_squeeze %dma_start3A_24 : memref<1x128xi32, #tpu.memory_space<vmem>> -> memref<128xi32, #tpu.memory_space<vmem>>
    %dma_start3A_26 = arith.constant 0 : i32
    %dma_start3A_27 = arith.constant 0 : i32
    %dma_start3A_28 = tpu.memref_slice %arg2[%dma_start3A_26, %dma_start3A_27] : memref<10240x128xf32, #tpu.memory_space<hbm>> -> memref<10240x128xf32, #tpu.memory_space<hbm>>
    tpu.enqueue_indirect_dma source(%dma_start3A_28 : memref<10240x128xf32, #tpu.memory_space<hbm>>) target(%arg9 : memref<128x128xf32, #tpu.memory_space<vmem>>) offsets(%dma_start3A_25 : memref<128xi32, #tpu.memory_space<vmem>>) semaphore(%arg12 : memref<!tpu.dma_semaphore, #tpu.memory_space<semaphore_mem>>)
    %scan3A_29 = arith.constant 0 : i32
    %scan3A_30 = arith.constant 0 : i32
    %scan3A_31 = arith.constant 20 : i32
    %scan3A_32 = arith.addi %scan3A_30, %scan3A_31 : i32
    %scan3A_33 = arith.constant 1 : i32
    scf.for %scan3A_40 = %scan3A_30 to %scan3A_32 step %scan3A_33  : i32 {
      %mul3A_41 = arith.constant 2 : i32
      %mul3A_42 = arith.muli %mul3A_41, %scan3A_40 : i32
      %add3A_43 = arith.constant 1 : i32
      %add3A_44 = arith.addi %mul3A_42, %add3A_43 : i32
      %dma_start3A_45 = arith.constant 0 : i32
      %dma_start3A_46 = tpu.memref_slice %arg7[%add3A_44, %dma_start3A_45] : memref<40x128xi32, #tpu.memory_space<vmem>> -> memref<1x128xi32, #tpu.memory_space<vmem>>
      %dma_start3A_47 = tpu.memref_squeeze %dma_start3A_46 : memref<1x128xi32, #tpu.memory_space<vmem>> -> memref<128xi32, #tpu.memory_space<vmem>>
      %dma_start3A_48 = arith.constant 0 : i32
      %dma_start3A_49 = arith.constant 0 : i32
      %dma_start3A_50 = tpu.memref_slice %arg2[%dma_start3A_48, %dma_start3A_49] : memref<10240x128xf32, #tpu.memory_space<hbm>> -> memref<10240x128xf32, #tpu.memory_space<hbm>>
      tpu.enqueue_indirect_dma source(%dma_start3A_50 : memref<10240x128xf32, #tpu.memory_space<hbm>>) target(%arg10 : memref<128x128xf32, #tpu.memory_space<vmem>>) offsets(%dma_start3A_47 : memref<128xi32, #tpu.memory_space<vmem>>) semaphore(%arg13 : memref<!tpu.dma_semaphore, #tpu.memory_space<semaphore_mem>>)
      %dma_wait3A = arith.constant 0 : i32
      %dma_wait3A_51 = tpu.memref_slice %arg7[%mul3A_42, %dma_wait3A] : memref<40x128xi32, #tpu.memory_space<vmem>> -> memref<1x128xi32, #tpu.memory_space<vmem>>
      %dma_wait3A_52 = tpu.memref_squeeze %dma_wait3A_51 : memref<1x128xi32, #tpu.memory_space<vmem>> -> memref<128xi32, #tpu.memory_space<vmem>>
      %dma_wait3A_53 = arith.constant 0 : i32
      %dma_wait3A_54 = arith.constant 0 : i32
      %dma_wait3A_55 = tpu.memref_slice %arg2[%dma_wait3A_53, %dma_wait3A_54] : memref<10240x128xf32, #tpu.memory_space<hbm>> -> memref<10240x128xf32, #tpu.memory_space<hbm>>
      tpu.wait_indirect_dma semaphore(%arg12 : memref<!tpu.dma_semaphore, #tpu.memory_space<semaphore_mem>>) src(%dma_wait3A_55 : memref<10240x128xf32, #tpu.memory_space<hbm>>) dst(%arg9 : memref<128x128xf32, #tpu.memory_space<vmem>>)
      %dma_start3A_56 = arith.constant 0 : i32
      %dma_start3A_57 = tpu.memref_slice %arg8[%mul3A_42, %dma_start3A_56] : memref<40x128xi32, #tpu.memory_space<vmem>> -> memref<1x128xi32, #tpu.memory_space<vmem>>
      %dma_start3A_58 = tpu.memref_squeeze %dma_start3A_57 : memref<1x128xi32, #tpu.memory_space<vmem>> -> memref<128xi32, #tpu.memory_space<vmem>>
      %dma_start3A_59 = arith.constant 0 : i32
      %dma_start3A_60 = arith.constant 0 : i32
      %dma_start3A_61 = tpu.memref_slice %arg11[%dma_start3A_59, %dma_start3A_60] : memref<10240x128xf32, #tpu.memory_space<vmem_shared>> -> memref<10240x128xf32, #tpu.memory_space<vmem_shared>>
      tpu.enqueue_indirect_dma source(%arg9 : memref<128x128xf32, #tpu.memory_space<vmem>>) target(%dma_start3A_61 : memref<10240x128xf32, #tpu.memory_space<vmem_shared>>) offsets(%dma_start3A_58 : memref<128xi32, #tpu.memory_space<vmem>>) semaphore(%arg14 : memref<!tpu.dma_semaphore, #tpu.memory_space<semaphore_mem>>) {add = true}
      %dma_wait3A_62 = arith.constant 0 : i32
      %dma_wait3A_63 = tpu.memref_slice %arg7[%add3A_44, %dma_wait3A_62] : memref<40x128xi32, #tpu.memory_space<vmem>> -> memref<1x128xi32, #tpu.memory_space<vmem>>
      %dma_wait3A_64 = tpu.memref_squeeze %dma_wait3A_63 : memref<1x128xi32, #tpu.memory_space<vmem>> -> memref<128xi32, #tpu.memory_space<vmem>>
      %dma_wait3A_65 = arith.constant 0 : i32
      %dma_wait3A_66 = arith.constant 0 : i32
      %dma_wait3A_67 = tpu.memref_slice %arg2[%dma_wait3A_65, %dma_wait3A_66] : memref<10240x128xf32, #tpu.memory_space<hbm>> -> memref<10240x128xf32, #tpu.memory_space<hbm>>
      tpu.wait_indirect_dma semaphore(%arg13 : memref<!tpu.dma_semaphore, #tpu.memory_space<semaphore_mem>>) src(%dma_wait3A_67 : memref<10240x128xf32, #tpu.memory_space<hbm>>) dst(%arg10 : memref<128x128xf32, #tpu.memory_space<vmem>>)
      %dma_start3A_68 = arith.constant 0 : i32
      %dma_start3A_69 = tpu.memref_slice %arg8[%add3A_44, %dma_start3A_68] : memref<40x128xi32, #tpu.memory_space<vmem>> -> memref<1x128xi32, #tpu.memory_space<vmem>>
      %dma_start3A_70 = tpu.memref_squeeze %dma_start3A_69 : memref<1x128xi32, #tpu.memory_space<vmem>> -> memref<128xi32, #tpu.memory_space<vmem>>
      %dma_start3A_71 = arith.constant 0 : i32
      %dma_start3A_72 = arith.constant 0 : i32
      %dma_start3A_73 = tpu.memref_slice %arg11[%dma_start3A_71, %dma_start3A_72] : memref<10240x128xf32, #tpu.memory_space<vmem_shared>> -> memref<10240x128xf32, #tpu.memory_space<vmem_shared>>
      tpu.enqueue_indirect_dma source(%arg10 : memref<128x128xf32, #tpu.memory_space<vmem>>) target(%dma_start3A_73 : memref<10240x128xf32, #tpu.memory_space<vmem_shared>>) offsets(%dma_start3A_70 : memref<128xi32, #tpu.memory_space<vmem>>) semaphore(%arg15 : memref<!tpu.dma_semaphore, #tpu.memory_space<semaphore_mem>>) {add = true}
      %dma_wait3A_74 = arith.constant 0 : i32
      %dma_wait3A_75 = tpu.memref_slice %arg8[%mul3A_42, %dma_wait3A_74] : memref<40x128xi32, #tpu.memory_space<vmem>> -> memref<1x128xi32, #tpu.memory_space<vmem>>
      %dma_wait3A_76 = tpu.memref_squeeze %dma_wait3A_75 : memref<1x128xi32, #tpu.memory_space<vmem>> -> memref<128xi32, #tpu.memory_space<vmem>>
      %dma_wait3A_77 = arith.constant 0 : i32
      %dma_wait3A_78 = arith.constant 0 : i32
      %dma_wait3A_79 = tpu.memref_slice %arg11[%dma_wait3A_77, %dma_wait3A_78] : memref<10240x128xf32, #tpu.memory_space<vmem_shared>> -> memref<10240x128xf32, #tpu.memory_space<vmem_shared>>
      tpu.wait_indirect_dma semaphore(%arg14 : memref<!tpu.dma_semaphore, #tpu.memory_space<semaphore_mem>>) src(%arg9 : memref<128x128xf32, #tpu.memory_space<vmem>>) dst(%dma_wait3A_79 : memref<10240x128xf32, #tpu.memory_space<vmem_shared>>)
      %lt3A = arith.constant 19 : i32
      %lt3A_80 = arith.cmpi slt, %scan3A_40, %lt3A : i32
      %convert_element_type3A = arith.extui %lt3A_80 : i1 to i32
      %cond3A = arith.constant 0 : i32
      %cond3A_81 = arith.cmpi ne, %convert_element_type3A, %cond3A : i32
      scf.if %cond3A_81 {
        %add3A_88 = arith.constant 2 : i32
        %add3A_89 = arith.addi %mul3A_42, %add3A_88 : i32
        %dma_start3A_90 = arith.constant 0 : i32
        %dma_start3A_91 = tpu.memref_slice %arg7[%add3A_89, %dma_start3A_90] : memref<40x128xi32, #tpu.memory_space<vmem>> -> memref<1x128xi32, #tpu.memory_space<vmem>>
        %dma_start3A_92 = tpu.memref_squeeze %dma_start3A_91 : memref<1x128xi32, #tpu.memory_space<vmem>> -> memref<128xi32, #tpu.memory_space<vmem>>
        %dma_start3A_93 = arith.constant 0 : i32
        %dma_start3A_94 = arith.constant 0 : i32
        %dma_start3A_95 = tpu.memref_slice %arg2[%dma_start3A_93, %dma_start3A_94] : memref<10240x128xf32, #tpu.memory_space<hbm>> -> memref<10240x128xf32, #tpu.memory_space<hbm>>
        tpu.enqueue_indirect_dma source(%dma_start3A_95 : memref<10240x128xf32, #tpu.memory_space<hbm>>) target(%arg9 : memref<128x128xf32, #tpu.memory_space<vmem>>) offsets(%dma_start3A_92 : memref<128xi32, #tpu.memory_space<vmem>>) semaphore(%arg12 : memref<!tpu.dma_semaphore, #tpu.memory_space<semaphore_mem>>)
      } else {
      }
      %dma_wait3A_82 = arith.constant 0 : i32
      %dma_wait3A_83 = tpu.memref_slice %arg8[%add3A_44, %dma_wait3A_82] : memref<40x128xi32, #tpu.memory_space<vmem>> -> memref<1x128xi32, #tpu.memory_space<vmem>>
      %dma_wait3A_84 = tpu.memref_squeeze %dma_wait3A_83 : memref<1x128xi32, #tpu.memory_space<vmem>> -> memref<128xi32, #tpu.memory_space<vmem>>
      %dma_wait3A_85 = arith.constant 0 : i32
      %dma_wait3A_86 = arith.constant 0 : i32
      %dma_wait3A_87 = tpu.memref_slice %arg11[%dma_wait3A_85, %dma_wait3A_86] : memref<10240x128xf32, #tpu.memory_space<vmem_shared>> -> memref<10240x128xf32, #tpu.memory_space<vmem_shared>>
      tpu.wait_indirect_dma semaphore(%arg15 : memref<!tpu.dma_semaphore, #tpu.memory_space<semaphore_mem>>) src(%arg10 : memref<128x128xf32, #tpu.memory_space<vmem>>) dst(%dma_wait3A_87 : memref<10240x128xf32, #tpu.memory_space<vmem_shared>>)
    }
    %scan3A_34 = arith.constant 20 : i32
    %barrier3A_35 = arith.constant 0 : index
    tpu.barrier barrier_id(%barrier3A_35)
    %mul3A_36 = arith.constant 640 : i32
    %mul3A_37 = arith.muli %arg1, %mul3A_36 : i32
    %mul3A_38 = arith.constant 640 : i32
    %mul3A_39 = arith.muli %arg1, %mul3A_38 : i32
    "tpu.region"() ({
      %run_scoped3A = tpu.sem_alloc : memref<!tpu.dma_semaphore, #tpu.memory_space<semaphore_mem>>
      %dma_start3A_40 = arith.constant 0 : i32
      %dma_start3A_41 = tpu.memref_slice %arg6[%arg0, %mul3A_39, %dma_start3A_40] : memref<2x10240x128xf32, #tpu.memory_space<hbm>> -> memref<1x640x128xf32, #tpu.memory_space<hbm>>
      %dma_start3A_42 = tpu.memref_squeeze %dma_start3A_41 : memref<1x640x128xf32, #tpu.memory_space<hbm>> -> memref<640x128xf32, #tpu.memory_space<hbm>>
      %dma_start3A_43 = arith.constant 0 : i32
      %dma_start3A_44 = tpu.memref_slice %arg11[%mul3A_37, %dma_start3A_43] : memref<10240x128xf32, #tpu.memory_space<vmem_shared>> -> memref<640x128xf32, #tpu.memory_space<vmem_shared>>
      tpu.enqueue_dma source(%dma_start3A_44 : memref<640x128xf32, #tpu.memory_space<vmem_shared>>) target(%dma_start3A_42 : memref<640x128xf32, #tpu.memory_space<hbm>>) target_semaphore(%run_scoped3A : memref<!tpu.dma_semaphore, #tpu.memory_space<semaphore_mem>>)
      %dma_wait3A = arith.constant 0 : i32
      %dma_wait3A_45 = tpu.memref_slice %arg6[%arg0, %mul3A_39, %dma_wait3A] : memref<2x10240x128xf32, #tpu.memory_space<hbm>> -> memref<1x640x128xf32, #tpu.memory_space<hbm>>
      %dma_wait3A_46 = tpu.memref_squeeze %dma_wait3A_45 : memref<1x640x128xf32, #tpu.memory_space<hbm>> -> memref<640x128xf32, #tpu.memory_space<hbm>>
      %dma_wait3A_47 = arith.constant 0 : i32
      %dma_wait3A_48 = tpu.memref_slice %arg11[%mul3A_37, %dma_wait3A_47] : memref<10240x128xf32, #tpu.memory_space<vmem_shared>> -> memref<640x128xf32, #tpu.memory_space<vmem_shared>>
      tpu.wait_dma2 semaphore(%run_scoped3A : memref<!tpu.dma_semaphore, #tpu.memory_space<semaphore_mem>>) src(%dma_wait3A_48 : memref<640x128xf32, #tpu.memory_space<vmem_shared>>) dst(%dma_wait3A_46 : memref<640x128xf32, #tpu.memory_space<hbm>>)
      tpu.yield
    }) : () -> ()
    return
  }
}

#map = affine_map<(d0, d1) -> (0, 0)>
#map1 = affine_map<(d0, d1) -> (0, 0, 0)>
module attributes {stable_mosaic.version = 14 : i64} {
  func.func @_deg_kernel(%arg0: i32, %arg1: i32, %arg2: memref<2560x128xi32, #tpu.memory_space<hbm>>, %arg3: memref<128x128xf32, #tpu.memory_space<hbm>>, %arg4: memref<640x128xf32, #tpu.memory_space<hbm>>, %arg5: memref<2x10240x128xf32, #tpu.memory_space<hbm>>, %arg6: memref<80x128xi32, #tpu.memory_space<vmem>>, %arg7: memref<128x128xf32, #tpu.memory_space<vmem>>, %arg8: memref<10240x128xf32, #tpu.memory_space<vmem_shared>>, %arg9: memref<!tpu.dma_semaphore, #tpu.memory_space<semaphore_mem>>) attributes {dimension_semantics = [#tpu.dimension_semantics<core_parallel>, #tpu.dimension_semantics<subcore_parallel>], iteration_bounds = array<i64: 2, 16>, scalar_prefetch = 0 : i64, scratch_operands = 4 : i64, tpu.core_type = #tpu.core_type<sc_vector_subcore>, window_params = [{transform_indices = #map}, {transform_indices = #map}, {transform_indices = #map}, {transform_indices = #map1}]} {
    %mul3A = arith.constant 2 : i32
    %mul3A_0 = arith.muli %arg1, %mul3A : i32
    %add3A = arith.addi %mul3A_0, %arg0 : i32
    %mul3A_1 = arith.constant 80 : i32
    %mul3A_2 = arith.muli %add3A, %mul3A_1 : i32
    "tpu.region"() ({
      %run_scoped3A = tpu.sem_alloc : memref<!tpu.dma_semaphore, #tpu.memory_space<semaphore_mem>>
      %dma_start3A_35 = arith.constant 0 : i32
      %dma_start3A_36 = tpu.memref_slice %arg2[%mul3A_2, %dma_start3A_35] : memref<2560x128xi32, #tpu.memory_space<hbm>> -> memref<80x128xi32, #tpu.memory_space<hbm>>
      %dma_start3A_37 = arith.constant 0 : i32
      %dma_start3A_38 = tpu.memref_slice %arg2[%mul3A_2, %dma_start3A_37] : memref<2560x128xi32, #tpu.memory_space<hbm>> -> memref<80x128xi32, #tpu.memory_space<hbm>>
      tpu.enqueue_dma source(%dma_start3A_38 : memref<80x128xi32, #tpu.memory_space<hbm>>) target(%arg6 : memref<80x128xi32, #tpu.memory_space<vmem>>) target_semaphore(%run_scoped3A : memref<!tpu.dma_semaphore, #tpu.memory_space<semaphore_mem>>)
      %dma_wait3A = arith.constant 0 : i32
      %dma_wait3A_39 = tpu.memref_slice %arg2[%mul3A_2, %dma_wait3A] : memref<2560x128xi32, #tpu.memory_space<hbm>> -> memref<80x128xi32, #tpu.memory_space<hbm>>
      %dma_wait3A_40 = arith.constant 0 : i32
      %dma_wait3A_41 = tpu.memref_slice %arg2[%mul3A_2, %dma_wait3A_40] : memref<2560x128xi32, #tpu.memory_space<hbm>> -> memref<80x128xi32, #tpu.memory_space<hbm>>
      tpu.wait_dma2 semaphore(%run_scoped3A : memref<!tpu.dma_semaphore, #tpu.memory_space<semaphore_mem>>) src(%dma_wait3A_41 : memref<80x128xi32, #tpu.memory_space<hbm>>) dst(%arg6 : memref<80x128xi32, #tpu.memory_space<vmem>>)
      tpu.yield
    }) : () -> ()
    "tpu.region"() ({
      %run_scoped3A = tpu.sem_alloc : memref<!tpu.dma_semaphore, #tpu.memory_space<semaphore_mem>>
      tpu.enqueue_dma source(%arg3 : memref<128x128xf32, #tpu.memory_space<hbm>>) target(%arg7 : memref<128x128xf32, #tpu.memory_space<vmem>>) target_semaphore(%run_scoped3A : memref<!tpu.dma_semaphore, #tpu.memory_space<semaphore_mem>>)
      tpu.wait_dma2 semaphore(%run_scoped3A : memref<!tpu.dma_semaphore, #tpu.memory_space<semaphore_mem>>) src(%arg3 : memref<128x128xf32, #tpu.memory_space<hbm>>) dst(%arg7 : memref<128x128xf32, #tpu.memory_space<vmem>>)
      tpu.yield
    }) : () -> ()
    %mul3A_3 = arith.constant 640 : i32
    %mul3A_4 = arith.muli %arg1, %mul3A_3 : i32
    "tpu.region"() ({
      %run_scoped3A = tpu.sem_alloc : memref<!tpu.dma_semaphore, #tpu.memory_space<semaphore_mem>>
      %dma_start3A_35 = arith.constant 0 : i32
      %dma_start3A_36 = tpu.memref_slice %arg8[%mul3A_4, %dma_start3A_35] : memref<10240x128xf32, #tpu.memory_space<vmem_shared>> -> memref<640x128xf32, #tpu.memory_space<vmem_shared>>
      tpu.enqueue_dma source(%arg4 : memref<640x128xf32, #tpu.memory_space<hbm>>) target(%dma_start3A_36 : memref<640x128xf32, #tpu.memory_space<vmem_shared>>) target_semaphore(%run_scoped3A : memref<!tpu.dma_semaphore, #tpu.memory_space<semaphore_mem>>)
      %dma_wait3A = arith.constant 0 : i32
      %dma_wait3A_37 = tpu.memref_slice %arg8[%mul3A_4, %dma_wait3A] : memref<10240x128xf32, #tpu.memory_space<vmem_shared>> -> memref<640x128xf32, #tpu.memory_space<vmem_shared>>
      tpu.wait_dma2 semaphore(%run_scoped3A : memref<!tpu.dma_semaphore, #tpu.memory_space<semaphore_mem>>) src(%arg4 : memref<640x128xf32, #tpu.memory_space<hbm>>) dst(%dma_wait3A_37 : memref<640x128xf32, #tpu.memory_space<vmem_shared>>)
      tpu.yield
    }) : () -> ()
    %barrier3A = arith.constant 0 : index
    tpu.barrier barrier_id(%barrier3A)
    %dma_start3A = arith.constant 0 : i32
    %dma_start3A_5 = arith.constant 0 : i32
    %dma_start3A_6 = tpu.memref_slice %arg6[%dma_start3A, %dma_start3A_5] : memref<80x128xi32, #tpu.memory_space<vmem>> -> memref<1x128xi32, #tpu.memory_space<vmem>>
    %dma_start3A_7 = tpu.memref_squeeze %dma_start3A_6 : memref<1x128xi32, #tpu.memory_space<vmem>> -> memref<128xi32, #tpu.memory_space<vmem>>
    %dma_start3A_8 = arith.constant 0 : i32
    %dma_start3A_9 = arith.constant 0 : i32
    %dma_start3A_10 = tpu.memref_slice %arg8[%dma_start3A_8, %dma_start3A_9] : memref<10240x128xf32, #tpu.memory_space<vmem_shared>> -> memref<10240x128xf32, #tpu.memory_space<vmem_shared>>
    tpu.enqueue_indirect_dma source(%arg7 : memref<128x128xf32, #tpu.memory_space<vmem>>) target(%dma_start3A_10 : memref<10240x128xf32, #tpu.memory_space<vmem_shared>>) offsets(%dma_start3A_7 : memref<128xi32, #tpu.memory_space<vmem>>) semaphore(%arg9 : memref<!tpu.dma_semaphore, #tpu.memory_space<semaphore_mem>>) {add = true}
    %dma_start3A_11 = arith.constant 1 : i32
    %dma_start3A_12 = arith.constant 0 : i32
    %dma_start3A_13 = tpu.memref_slice %arg6[%dma_start3A_11, %dma_start3A_12] : memref<80x128xi32, #tpu.memory_space<vmem>> -> memref<1x128xi32, #tpu.memory_space<vmem>>
    %dma_start3A_14 = tpu.memref_squeeze %dma_start3A_13 : memref<1x128xi32, #tpu.memory_space<vmem>> -> memref<128xi32, #tpu.memory_space<vmem>>
    %dma_start3A_15 = arith.constant 0 : i32
    %dma_start3A_16 = arith.constant 0 : i32
    %dma_start3A_17 = tpu.memref_slice %arg8[%dma_start3A_15, %dma_start3A_16] : memref<10240x128xf32, #tpu.memory_space<vmem_shared>> -> memref<10240x128xf32, #tpu.memory_space<vmem_shared>>
    tpu.enqueue_indirect_dma source(%arg7 : memref<128x128xf32, #tpu.memory_space<vmem>>) target(%dma_start3A_17 : memref<10240x128xf32, #tpu.memory_space<vmem_shared>>) offsets(%dma_start3A_14 : memref<128xi32, #tpu.memory_space<vmem>>) semaphore(%arg9 : memref<!tpu.dma_semaphore, #tpu.memory_space<semaphore_mem>>) {add = true}
    %dma_start3A_18 = arith.constant 2 : i32
    %dma_start3A_19 = arith.constant 0 : i32
    %dma_start3A_20 = tpu.memref_slice %arg6[%dma_start3A_18, %dma_start3A_19] : memref<80x128xi32, #tpu.memory_space<vmem>> -> memref<1x128xi32, #tpu.memory_space<vmem>>
    %dma_start3A_21 = tpu.memref_squeeze %dma_start3A_20 : memref<1x128xi32, #tpu.memory_space<vmem>> -> memref<128xi32, #tpu.memory_space<vmem>>
    %dma_start3A_22 = arith.constant 0 : i32
    %dma_start3A_23 = arith.constant 0 : i32
    %dma_start3A_24 = tpu.memref_slice %arg8[%dma_start3A_22, %dma_start3A_23] : memref<10240x128xf32, #tpu.memory_space<vmem_shared>> -> memref<10240x128xf32, #tpu.memory_space<vmem_shared>>
    tpu.enqueue_indirect_dma source(%arg7 : memref<128x128xf32, #tpu.memory_space<vmem>>) target(%dma_start3A_24 : memref<10240x128xf32, #tpu.memory_space<vmem_shared>>) offsets(%dma_start3A_21 : memref<128xi32, #tpu.memory_space<vmem>>) semaphore(%arg9 : memref<!tpu.dma_semaphore, #tpu.memory_space<semaphore_mem>>) {add = true}
    %scan3A = arith.constant 0 : i32
    %scan3A_25 = arith.constant 0 : i32
    %scan3A_26 = arith.constant 80 : i32
    %scan3A_27 = arith.addi %scan3A_25, %scan3A_26 : i32
    %scan3A_28 = arith.constant 1 : i32
    scf.for %scan3A_35 = %scan3A_25 to %scan3A_27 step %scan3A_28  : i32 {
      %lt3A = arith.constant 77 : i32
      %lt3A_36 = arith.cmpi slt, %scan3A_35, %lt3A : i32
      %convert_element_type3A = arith.extui %lt3A_36 : i1 to i32
      %cond3A = arith.constant 0 : i32
      %cond3A_37 = arith.cmpi ne, %convert_element_type3A, %cond3A : i32
      scf.if %cond3A_37 {
        %add3A_43 = arith.constant 3 : i32
        %add3A_44 = arith.addi %scan3A_35, %add3A_43 : i32
        %dma_start3A_45 = arith.constant 0 : i32
        %dma_start3A_46 = tpu.memref_slice %arg6[%add3A_44, %dma_start3A_45] : memref<80x128xi32, #tpu.memory_space<vmem>> -> memref<1x128xi32, #tpu.memory_space<vmem>>
        %dma_start3A_47 = tpu.memref_squeeze %dma_start3A_46 : memref<1x128xi32, #tpu.memory_space<vmem>> -> memref<128xi32, #tpu.memory_space<vmem>>
        %dma_start3A_48 = arith.constant 0 : i32
        %dma_start3A_49 = arith.constant 0 : i32
        %dma_start3A_50 = tpu.memref_slice %arg8[%dma_start3A_48, %dma_start3A_49] : memref<10240x128xf32, #tpu.memory_space<vmem_shared>> -> memref<10240x128xf32, #tpu.memory_space<vmem_shared>>
        tpu.enqueue_indirect_dma source(%arg7 : memref<128x128xf32, #tpu.memory_space<vmem>>) target(%dma_start3A_50 : memref<10240x128xf32, #tpu.memory_space<vmem_shared>>) offsets(%dma_start3A_47 : memref<128xi32, #tpu.memory_space<vmem>>) semaphore(%arg9 : memref<!tpu.dma_semaphore, #tpu.memory_space<semaphore_mem>>) {add = true}
      } else {
      }
      %dma_wait3A = arith.constant 0 : i32
      %dma_wait3A_38 = tpu.memref_slice %arg6[%scan3A_35, %dma_wait3A] : memref<80x128xi32, #tpu.memory_space<vmem>> -> memref<1x128xi32, #tpu.memory_space<vmem>>
      %dma_wait3A_39 = tpu.memref_squeeze %dma_wait3A_38 : memref<1x128xi32, #tpu.memory_space<vmem>> -> memref<128xi32, #tpu.memory_space<vmem>>
      %dma_wait3A_40 = arith.constant 0 : i32
      %dma_wait3A_41 = arith.constant 0 : i32
      %dma_wait3A_42 = tpu.memref_slice %arg8[%dma_wait3A_40, %dma_wait3A_41] : memref<10240x128xf32, #tpu.memory_space<vmem_shared>> -> memref<10240x128xf32, #tpu.memory_space<vmem_shared>>
      tpu.wait_indirect_dma semaphore(%arg9 : memref<!tpu.dma_semaphore, #tpu.memory_space<semaphore_mem>>) src(%arg7 : memref<128x128xf32, #tpu.memory_space<vmem>>) dst(%dma_wait3A_42 : memref<10240x128xf32, #tpu.memory_space<vmem_shared>>)
    }
    %scan3A_29 = arith.constant 80 : i32
    %barrier3A_30 = arith.constant 0 : index
    tpu.barrier barrier_id(%barrier3A_30)
    %mul3A_31 = arith.constant 640 : i32
    %mul3A_32 = arith.muli %arg1, %mul3A_31 : i32
    %mul3A_33 = arith.constant 640 : i32
    %mul3A_34 = arith.muli %arg1, %mul3A_33 : i32
    "tpu.region"() ({
      %run_scoped3A = tpu.sem_alloc : memref<!tpu.dma_semaphore, #tpu.memory_space<semaphore_mem>>
      %dma_start3A_35 = arith.constant 0 : i32
      %dma_start3A_36 = tpu.memref_slice %arg5[%arg0, %mul3A_34, %dma_start3A_35] : memref<2x10240x128xf32, #tpu.memory_space<hbm>> -> memref<1x640x128xf32, #tpu.memory_space<hbm>>
      %dma_start3A_37 = tpu.memref_squeeze %dma_start3A_36 : memref<1x640x128xf32, #tpu.memory_space<hbm>> -> memref<640x128xf32, #tpu.memory_space<hbm>>
      %dma_start3A_38 = arith.constant 0 : i32
      %dma_start3A_39 = tpu.memref_slice %arg8[%mul3A_32, %dma_start3A_38] : memref<10240x128xf32, #tpu.memory_space<vmem_shared>> -> memref<640x128xf32, #tpu.memory_space<vmem_shared>>
      tpu.enqueue_dma source(%dma_start3A_39 : memref<640x128xf32, #tpu.memory_space<vmem_shared>>) target(%dma_start3A_37 : memref<640x128xf32, #tpu.memory_space<hbm>>) target_semaphore(%run_scoped3A : memref<!tpu.dma_semaphore, #tpu.memory_space<semaphore_mem>>)
      %dma_wait3A = arith.constant 0 : i32
      %dma_wait3A_40 = tpu.memref_slice %arg5[%arg0, %mul3A_34, %dma_wait3A] : memref<2x10240x128xf32, #tpu.memory_space<hbm>> -> memref<1x640x128xf32, #tpu.memory_space<hbm>>
      %dma_wait3A_41 = tpu.memref_squeeze %dma_wait3A_40 : memref<1x640x128xf32, #tpu.memory_space<hbm>> -> memref<640x128xf32, #tpu.memory_space<hbm>>
      %dma_wait3A_42 = arith.constant 0 : i32
      %dma_wait3A_43 = tpu.memref_slice %arg8[%mul3A_32, %dma_wait3A_42] : memref<10240x128xf32, #tpu.memory_space<vmem_shared>> -> memref<640x128xf32, #tpu.memory_space<vmem_shared>>
      tpu.wait_dma2 semaphore(%run_scoped3A : memref<!tpu.dma_semaphore, #tpu.memory_space<semaphore_mem>>) src(%dma_wait3A_43 : memref<640x128xf32, #tpu.memory_space<vmem_shared>>) dst(%dma_wait3A_41 : memref<640x128xf32, #tpu.memory_space<hbm>>)
      tpu.yield
    }) : () -> ()
    return
  }
}

#map = affine_map<(d0, d1) -> (0, 0)>
#map1 = affine_map<(d0, d1) -> (0, 0, 0)>
module attributes {stable_mosaic.version = 14 : i64} {
  func.func @_mp_kernel(%arg0: i32, %arg1: i32, %arg2: memref<10240x128xf32, #tpu.memory_space<hbm>>, %arg3: memref<2560x128xi32, #tpu.memory_space<hbm>>, %arg4: memref<2560x128xi32, #tpu.memory_space<hbm>>, %arg5: memref<640x128xf32, #tpu.memory_space<hbm>>, %arg6: memref<2x10240x128xf32, #tpu.memory_space<hbm>>, %arg7: memref<40x128xi32, #tpu.memory_space<vmem>>, %arg8: memref<40x128xi32, #tpu.memory_space<vmem>>, %arg9: memref<128x128xf32, #tpu.memory_space<vmem>>, %arg10: memref<128x128xf32, #tpu.memory_space<vmem>>, %arg11: memref<10240x128xf32, #tpu.memory_space<vmem_shared>>, %arg12: memref<!tpu.dma_semaphore, #tpu.memory_space<semaphore_mem>>, %arg13: memref<!tpu.dma_semaphore, #tpu.memory_space<semaphore_mem>>, %arg14: memref<!tpu.dma_semaphore, #tpu.memory_space<semaphore_mem>>, %arg15: memref<!tpu.dma_semaphore, #tpu.memory_space<semaphore_mem>>) attributes {dimension_semantics = [#tpu.dimension_semantics<core_parallel>, #tpu.dimension_semantics<subcore_parallel>], iteration_bounds = array<i64: 2, 16>, scalar_prefetch = 0 : i64, scratch_operands = 9 : i64, tpu.core_type = #tpu.core_type<sc_vector_subcore>, window_params = [{transform_indices = #map}, {transform_indices = #map}, {transform_indices = #map}, {transform_indices = #map}, {transform_indices = #map1}]} {
    %mul3A = arith.constant 2 : i32
    %mul3A_0 = arith.muli %arg1, %mul3A : i32
    %add3A = arith.addi %mul3A_0, %arg0 : i32
    %mul3A_1 = arith.constant 640 : i32
    %mul3A_2 = arith.muli %arg1, %mul3A_1 : i32
    "tpu.region"() ({
      %run_scoped3A = tpu.sem_alloc : memref<!tpu.dma_semaphore, #tpu.memory_space<semaphore_mem>>
      %dma_start3A_40 = arith.constant 0 : i32
      %dma_start3A_41 = tpu.memref_slice %arg11[%mul3A_2, %dma_start3A_40] : memref<10240x128xf32, #tpu.memory_space<vmem_shared>> -> memref<640x128xf32, #tpu.memory_space<vmem_shared>>
      tpu.enqueue_dma source(%arg5 : memref<640x128xf32, #tpu.memory_space<hbm>>) target(%dma_start3A_41 : memref<640x128xf32, #tpu.memory_space<vmem_shared>>) target_semaphore(%run_scoped3A : memref<!tpu.dma_semaphore, #tpu.memory_space<semaphore_mem>>)
      %dma_wait3A = arith.constant 0 : i32
      %dma_wait3A_42 = tpu.memref_slice %arg11[%mul3A_2, %dma_wait3A] : memref<10240x128xf32, #tpu.memory_space<vmem_shared>> -> memref<640x128xf32, #tpu.memory_space<vmem_shared>>
      tpu.wait_dma2 semaphore(%run_scoped3A : memref<!tpu.dma_semaphore, #tpu.memory_space<semaphore_mem>>) src(%arg5 : memref<640x128xf32, #tpu.memory_space<hbm>>) dst(%dma_wait3A_42 : memref<640x128xf32, #tpu.memory_space<vmem_shared>>)
      tpu.yield
    }) : () -> ()
    %barrier3A = arith.constant 0 : index
    tpu.barrier barrier_id(%barrier3A)
    %mul3A_3 = arith.constant 80 : i32
    %mul3A_4 = arith.muli %add3A, %mul3A_3 : i32
    %add3A_5 = arith.constant 0 : i32
    %add3A_6 = arith.addi %mul3A_4, %add3A_5 : i32
    "tpu.region"() ({
      %run_scoped3A = tpu.sem_alloc : memref<!tpu.dma_semaphore, #tpu.memory_space<semaphore_mem>>
      %dma_start3A_40 = arith.constant 0 : i32
      %dma_start3A_41 = arith.constant 0 : i32
      %dma_start3A_42 = tpu.memref_slice %arg7[%dma_start3A_40, %dma_start3A_41] : memref<40x128xi32, #tpu.memory_space<vmem>> -> memref<40x128xi32, #tpu.memory_space<vmem>>
      %dma_start3A_43 = arith.constant 0 : i32
      %dma_start3A_44 = tpu.memref_slice %arg3[%add3A_6, %dma_start3A_43] : memref<2560x128xi32, #tpu.memory_space<hbm>> -> memref<40x128xi32, #tpu.memory_space<hbm>>
      %dma_start3A_45 = arith.constant 0 : i32
      %dma_start3A_46 = arith.constant 0 : i32
      %dma_start3A_47 = tpu.memref_slice %arg7[%dma_start3A_45, %dma_start3A_46] : memref<40x128xi32, #tpu.memory_space<vmem>> -> memref<40x128xi32, #tpu.memory_space<vmem>>
      %dma_start3A_48 = arith.constant 0 : i32
      %dma_start3A_49 = tpu.memref_slice %arg3[%add3A_6, %dma_start3A_48] : memref<2560x128xi32, #tpu.memory_space<hbm>> -> memref<40x128xi32, #tpu.memory_space<hbm>>
      tpu.enqueue_dma source(%dma_start3A_49 : memref<40x128xi32, #tpu.memory_space<hbm>>) target(%dma_start3A_47 : memref<40x128xi32, #tpu.memory_space<vmem>>) target_semaphore(%run_scoped3A : memref<!tpu.dma_semaphore, #tpu.memory_space<semaphore_mem>>)
      %dma_wait3A = arith.constant 0 : i32
      %dma_wait3A_50 = arith.constant 0 : i32
      %dma_wait3A_51 = tpu.memref_slice %arg7[%dma_wait3A, %dma_wait3A_50] : memref<40x128xi32, #tpu.memory_space<vmem>> -> memref<40x128xi32, #tpu.memory_space<vmem>>
      %dma_wait3A_52 = arith.constant 0 : i32
      %dma_wait3A_53 = tpu.memref_slice %arg3[%add3A_6, %dma_wait3A_52] : memref<2560x128xi32, #tpu.memory_space<hbm>> -> memref<40x128xi32, #tpu.memory_space<hbm>>
      %dma_wait3A_54 = arith.constant 0 : i32
      %dma_wait3A_55 = arith.constant 0 : i32
      %dma_wait3A_56 = tpu.memref_slice %arg7[%dma_wait3A_54, %dma_wait3A_55] : memref<40x128xi32, #tpu.memory_space<vmem>> -> memref<40x128xi32, #tpu.memory_space<vmem>>
      %dma_wait3A_57 = arith.constant 0 : i32
      %dma_wait3A_58 = tpu.memref_slice %arg3[%add3A_6, %dma_wait3A_57] : memref<2560x128xi32, #tpu.memory_space<hbm>> -> memref<40x128xi32, #tpu.memory_space<hbm>>
      tpu.wait_dma2 semaphore(%run_scoped3A : memref<!tpu.dma_semaphore, #tpu.memory_space<semaphore_mem>>) src(%dma_wait3A_58 : memref<40x128xi32, #tpu.memory_space<hbm>>) dst(%dma_wait3A_56 : memref<40x128xi32, #tpu.memory_space<vmem>>)
      tpu.yield
    }) : () -> ()
    "tpu.region"() ({
      %run_scoped3A = tpu.sem_alloc : memref<!tpu.dma_semaphore, #tpu.memory_space<semaphore_mem>>
      %dma_start3A_40 = arith.constant 0 : i32
      %dma_start3A_41 = arith.constant 0 : i32
      %dma_start3A_42 = tpu.memref_slice %arg8[%dma_start3A_40, %dma_start3A_41] : memref<40x128xi32, #tpu.memory_space<vmem>> -> memref<40x128xi32, #tpu.memory_space<vmem>>
      %dma_start3A_43 = arith.constant 0 : i32
      %dma_start3A_44 = tpu.memref_slice %arg4[%add3A_6, %dma_start3A_43] : memref<2560x128xi32, #tpu.memory_space<hbm>> -> memref<40x128xi32, #tpu.memory_space<hbm>>
      %dma_start3A_45 = arith.constant 0 : i32
      %dma_start3A_46 = arith.constant 0 : i32
      %dma_start3A_47 = tpu.memref_slice %arg8[%dma_start3A_45, %dma_start3A_46] : memref<40x128xi32, #tpu.memory_space<vmem>> -> memref<40x128xi32, #tpu.memory_space<vmem>>
      %dma_start3A_48 = arith.constant 0 : i32
      %dma_start3A_49 = tpu.memref_slice %arg4[%add3A_6, %dma_start3A_48] : memref<2560x128xi32, #tpu.memory_space<hbm>> -> memref<40x128xi32, #tpu.memory_space<hbm>>
      tpu.enqueue_dma source(%dma_start3A_49 : memref<40x128xi32, #tpu.memory_space<hbm>>) target(%dma_start3A_47 : memref<40x128xi32, #tpu.memory_space<vmem>>) target_semaphore(%run_scoped3A : memref<!tpu.dma_semaphore, #tpu.memory_space<semaphore_mem>>)
      %dma_wait3A = arith.constant 0 : i32
      %dma_wait3A_50 = arith.constant 0 : i32
      %dma_wait3A_51 = tpu.memref_slice %arg8[%dma_wait3A, %dma_wait3A_50] : memref<40x128xi32, #tpu.memory_space<vmem>> -> memref<40x128xi32, #tpu.memory_space<vmem>>
      %dma_wait3A_52 = arith.constant 0 : i32
      %dma_wait3A_53 = tpu.memref_slice %arg4[%add3A_6, %dma_wait3A_52] : memref<2560x128xi32, #tpu.memory_space<hbm>> -> memref<40x128xi32, #tpu.memory_space<hbm>>
      %dma_wait3A_54 = arith.constant 0 : i32
      %dma_wait3A_55 = arith.constant 0 : i32
      %dma_wait3A_56 = tpu.memref_slice %arg8[%dma_wait3A_54, %dma_wait3A_55] : memref<40x128xi32, #tpu.memory_space<vmem>> -> memref<40x128xi32, #tpu.memory_space<vmem>>
      %dma_wait3A_57 = arith.constant 0 : i32
      %dma_wait3A_58 = tpu.memref_slice %arg4[%add3A_6, %dma_wait3A_57] : memref<2560x128xi32, #tpu.memory_space<hbm>> -> memref<40x128xi32, #tpu.memory_space<hbm>>
      tpu.wait_dma2 semaphore(%run_scoped3A : memref<!tpu.dma_semaphore, #tpu.memory_space<semaphore_mem>>) src(%dma_wait3A_58 : memref<40x128xi32, #tpu.memory_space<hbm>>) dst(%dma_wait3A_56 : memref<40x128xi32, #tpu.memory_space<vmem>>)
      tpu.yield
    }) : () -> ()
    %dma_start3A = arith.constant 0 : i32
    %dma_start3A_7 = arith.constant 0 : i32
    %dma_start3A_8 = tpu.memref_slice %arg7[%dma_start3A, %dma_start3A_7] : memref<40x128xi32, #tpu.memory_space<vmem>> -> memref<1x128xi32, #tpu.memory_space<vmem>>
    %dma_start3A_9 = tpu.memref_squeeze %dma_start3A_8 : memref<1x128xi32, #tpu.memory_space<vmem>> -> memref<128xi32, #tpu.memory_space<vmem>>
    %dma_start3A_10 = arith.constant 0 : i32
    %dma_start3A_11 = arith.constant 0 : i32
    %dma_start3A_12 = tpu.memref_slice %arg2[%dma_start3A_10, %dma_start3A_11] : memref<10240x128xf32, #tpu.memory_space<hbm>> -> memref<10240x128xf32, #tpu.memory_space<hbm>>
    tpu.enqueue_indirect_dma source(%dma_start3A_12 : memref<10240x128xf32, #tpu.memory_space<hbm>>) target(%arg9 : memref<128x128xf32, #tpu.memory_space<vmem>>) offsets(%dma_start3A_9 : memref<128xi32, #tpu.memory_space<vmem>>) semaphore(%arg12 : memref<!tpu.dma_semaphore, #tpu.memory_space<semaphore_mem>>)
    %scan3A = arith.constant 0 : i32
    %scan3A_13 = arith.constant 0 : i32
    %scan3A_14 = arith.constant 20 : i32
    %scan3A_15 = arith.addi %scan3A_13, %scan3A_14 : i32
    %scan3A_16 = arith.constant 1 : i32
    scf.for %scan3A_40 = %scan3A_13 to %scan3A_15 step %scan3A_16  : i32 {
      %mul3A_41 = arith.constant 2 : i32
      %mul3A_42 = arith.muli %mul3A_41, %scan3A_40 : i32
      %add3A_43 = arith.constant 1 : i32
      %add3A_44 = arith.addi %mul3A_42, %add3A_43 : i32
      %dma_start3A_45 = arith.constant 0 : i32
      %dma_start3A_46 = tpu.memref_slice %arg7[%add3A_44, %dma_start3A_45] : memref<40x128xi32, #tpu.memory_space<vmem>> -> memref<1x128xi32, #tpu.memory_space<vmem>>
      %dma_start3A_47 = tpu.memref_squeeze %dma_start3A_46 : memref<1x128xi32, #tpu.memory_space<vmem>> -> memref<128xi32, #tpu.memory_space<vmem>>
      %dma_start3A_48 = arith.constant 0 : i32
      %dma_start3A_49 = arith.constant 0 : i32
      %dma_start3A_50 = tpu.memref_slice %arg2[%dma_start3A_48, %dma_start3A_49] : memref<10240x128xf32, #tpu.memory_space<hbm>> -> memref<10240x128xf32, #tpu.memory_space<hbm>>
      tpu.enqueue_indirect_dma source(%dma_start3A_50 : memref<10240x128xf32, #tpu.memory_space<hbm>>) target(%arg10 : memref<128x128xf32, #tpu.memory_space<vmem>>) offsets(%dma_start3A_47 : memref<128xi32, #tpu.memory_space<vmem>>) semaphore(%arg13 : memref<!tpu.dma_semaphore, #tpu.memory_space<semaphore_mem>>)
      %dma_wait3A = arith.constant 0 : i32
      %dma_wait3A_51 = tpu.memref_slice %arg7[%mul3A_42, %dma_wait3A] : memref<40x128xi32, #tpu.memory_space<vmem>> -> memref<1x128xi32, #tpu.memory_space<vmem>>
      %dma_wait3A_52 = tpu.memref_squeeze %dma_wait3A_51 : memref<1x128xi32, #tpu.memory_space<vmem>> -> memref<128xi32, #tpu.memory_space<vmem>>
      %dma_wait3A_53 = arith.constant 0 : i32
      %dma_wait3A_54 = arith.constant 0 : i32
      %dma_wait3A_55 = tpu.memref_slice %arg2[%dma_wait3A_53, %dma_wait3A_54] : memref<10240x128xf32, #tpu.memory_space<hbm>> -> memref<10240x128xf32, #tpu.memory_space<hbm>>
      tpu.wait_indirect_dma semaphore(%arg12 : memref<!tpu.dma_semaphore, #tpu.memory_space<semaphore_mem>>) src(%dma_wait3A_55 : memref<10240x128xf32, #tpu.memory_space<hbm>>) dst(%arg9 : memref<128x128xf32, #tpu.memory_space<vmem>>)
      %dma_start3A_56 = arith.constant 0 : i32
      %dma_start3A_57 = tpu.memref_slice %arg8[%mul3A_42, %dma_start3A_56] : memref<40x128xi32, #tpu.memory_space<vmem>> -> memref<1x128xi32, #tpu.memory_space<vmem>>
      %dma_start3A_58 = tpu.memref_squeeze %dma_start3A_57 : memref<1x128xi32, #tpu.memory_space<vmem>> -> memref<128xi32, #tpu.memory_space<vmem>>
      %dma_start3A_59 = arith.constant 0 : i32
      %dma_start3A_60 = arith.constant 0 : i32
      %dma_start3A_61 = tpu.memref_slice %arg11[%dma_start3A_59, %dma_start3A_60] : memref<10240x128xf32, #tpu.memory_space<vmem_shared>> -> memref<10240x128xf32, #tpu.memory_space<vmem_shared>>
      tpu.enqueue_indirect_dma source(%arg9 : memref<128x128xf32, #tpu.memory_space<vmem>>) target(%dma_start3A_61 : memref<10240x128xf32, #tpu.memory_space<vmem_shared>>) offsets(%dma_start3A_58 : memref<128xi32, #tpu.memory_space<vmem>>) semaphore(%arg14 : memref<!tpu.dma_semaphore, #tpu.memory_space<semaphore_mem>>) {add = true}
      %dma_wait3A_62 = arith.constant 0 : i32
      %dma_wait3A_63 = tpu.memref_slice %arg7[%add3A_44, %dma_wait3A_62] : memref<40x128xi32, #tpu.memory_space<vmem>> -> memref<1x128xi32, #tpu.memory_space<vmem>>
      %dma_wait3A_64 = tpu.memref_squeeze %dma_wait3A_63 : memref<1x128xi32, #tpu.memory_space<vmem>> -> memref<128xi32, #tpu.memory_space<vmem>>
      %dma_wait3A_65 = arith.constant 0 : i32
      %dma_wait3A_66 = arith.constant 0 : i32
      %dma_wait3A_67 = tpu.memref_slice %arg2[%dma_wait3A_65, %dma_wait3A_66] : memref<10240x128xf32, #tpu.memory_space<hbm>> -> memref<10240x128xf32, #tpu.memory_space<hbm>>
      tpu.wait_indirect_dma semaphore(%arg13 : memref<!tpu.dma_semaphore, #tpu.memory_space<semaphore_mem>>) src(%dma_wait3A_67 : memref<10240x128xf32, #tpu.memory_space<hbm>>) dst(%arg10 : memref<128x128xf32, #tpu.memory_space<vmem>>)
      %dma_start3A_68 = arith.constant 0 : i32
      %dma_start3A_69 = tpu.memref_slice %arg8[%add3A_44, %dma_start3A_68] : memref<40x128xi32, #tpu.memory_space<vmem>> -> memref<1x128xi32, #tpu.memory_space<vmem>>
      %dma_start3A_70 = tpu.memref_squeeze %dma_start3A_69 : memref<1x128xi32, #tpu.memory_space<vmem>> -> memref<128xi32, #tpu.memory_space<vmem>>
      %dma_start3A_71 = arith.constant 0 : i32
      %dma_start3A_72 = arith.constant 0 : i32
      %dma_start3A_73 = tpu.memref_slice %arg11[%dma_start3A_71, %dma_start3A_72] : memref<10240x128xf32, #tpu.memory_space<vmem_shared>> -> memref<10240x128xf32, #tpu.memory_space<vmem_shared>>
      tpu.enqueue_indirect_dma source(%arg10 : memref<128x128xf32, #tpu.memory_space<vmem>>) target(%dma_start3A_73 : memref<10240x128xf32, #tpu.memory_space<vmem_shared>>) offsets(%dma_start3A_70 : memref<128xi32, #tpu.memory_space<vmem>>) semaphore(%arg15 : memref<!tpu.dma_semaphore, #tpu.memory_space<semaphore_mem>>) {add = true}
      %dma_wait3A_74 = arith.constant 0 : i32
      %dma_wait3A_75 = tpu.memref_slice %arg8[%mul3A_42, %dma_wait3A_74] : memref<40x128xi32, #tpu.memory_space<vmem>> -> memref<1x128xi32, #tpu.memory_space<vmem>>
      %dma_wait3A_76 = tpu.memref_squeeze %dma_wait3A_75 : memref<1x128xi32, #tpu.memory_space<vmem>> -> memref<128xi32, #tpu.memory_space<vmem>>
      %dma_wait3A_77 = arith.constant 0 : i32
      %dma_wait3A_78 = arith.constant 0 : i32
      %dma_wait3A_79 = tpu.memref_slice %arg11[%dma_wait3A_77, %dma_wait3A_78] : memref<10240x128xf32, #tpu.memory_space<vmem_shared>> -> memref<10240x128xf32, #tpu.memory_space<vmem_shared>>
      tpu.wait_indirect_dma semaphore(%arg14 : memref<!tpu.dma_semaphore, #tpu.memory_space<semaphore_mem>>) src(%arg9 : memref<128x128xf32, #tpu.memory_space<vmem>>) dst(%dma_wait3A_79 : memref<10240x128xf32, #tpu.memory_space<vmem_shared>>)
      %lt3A = arith.constant 19 : i32
      %lt3A_80 = arith.cmpi slt, %scan3A_40, %lt3A : i32
      %convert_element_type3A = arith.extui %lt3A_80 : i1 to i32
      %cond3A = arith.constant 0 : i32
      %cond3A_81 = arith.cmpi ne, %convert_element_type3A, %cond3A : i32
      scf.if %cond3A_81 {
        %add3A_88 = arith.constant 2 : i32
        %add3A_89 = arith.addi %mul3A_42, %add3A_88 : i32
        %dma_start3A_90 = arith.constant 0 : i32
        %dma_start3A_91 = tpu.memref_slice %arg7[%add3A_89, %dma_start3A_90] : memref<40x128xi32, #tpu.memory_space<vmem>> -> memref<1x128xi32, #tpu.memory_space<vmem>>
        %dma_start3A_92 = tpu.memref_squeeze %dma_start3A_91 : memref<1x128xi32, #tpu.memory_space<vmem>> -> memref<128xi32, #tpu.memory_space<vmem>>
        %dma_start3A_93 = arith.constant 0 : i32
        %dma_start3A_94 = arith.constant 0 : i32
        %dma_start3A_95 = tpu.memref_slice %arg2[%dma_start3A_93, %dma_start3A_94] : memref<10240x128xf32, #tpu.memory_space<hbm>> -> memref<10240x128xf32, #tpu.memory_space<hbm>>
        tpu.enqueue_indirect_dma source(%dma_start3A_95 : memref<10240x128xf32, #tpu.memory_space<hbm>>) target(%arg9 : memref<128x128xf32, #tpu.memory_space<vmem>>) offsets(%dma_start3A_92 : memref<128xi32, #tpu.memory_space<vmem>>) semaphore(%arg12 : memref<!tpu.dma_semaphore, #tpu.memory_space<semaphore_mem>>)
      } else {
      }
      %dma_wait3A_82 = arith.constant 0 : i32
      %dma_wait3A_83 = tpu.memref_slice %arg8[%add3A_44, %dma_wait3A_82] : memref<40x128xi32, #tpu.memory_space<vmem>> -> memref<1x128xi32, #tpu.memory_space<vmem>>
      %dma_wait3A_84 = tpu.memref_squeeze %dma_wait3A_83 : memref<1x128xi32, #tpu.memory_space<vmem>> -> memref<128xi32, #tpu.memory_space<vmem>>
      %dma_wait3A_85 = arith.constant 0 : i32
      %dma_wait3A_86 = arith.constant 0 : i32
      %dma_wait3A_87 = tpu.memref_slice %arg11[%dma_wait3A_85, %dma_wait3A_86] : memref<10240x128xf32, #tpu.memory_space<vmem_shared>> -> memref<10240x128xf32, #tpu.memory_space<vmem_shared>>
      tpu.wait_indirect_dma semaphore(%arg15 : memref<!tpu.dma_semaphore, #tpu.memory_space<semaphore_mem>>) src(%arg10 : memref<128x128xf32, #tpu.memory_space<vmem>>) dst(%dma_wait3A_87 : memref<10240x128xf32, #tpu.memory_space<vmem_shared>>)
    }
    %scan3A_17 = arith.constant 20 : i32
    %mul3A_18 = arith.constant 80 : i32
    %mul3A_19 = arith.muli %add3A, %mul3A_18 : i32
    %add3A_20 = arith.constant 40 : i32
    %add3A_21 = arith.addi %mul3A_19, %add3A_20 : i32
    "tpu.region"() ({
      %run_scoped3A = tpu.sem_alloc : memref<!tpu.dma_semaphore, #tpu.memory_space<semaphore_mem>>
      %dma_start3A_40 = arith.constant 0 : i32
      %dma_start3A_41 = arith.constant 0 : i32
      %dma_start3A_42 = tpu.memref_slice %arg7[%dma_start3A_40, %dma_start3A_41] : memref<40x128xi32, #tpu.memory_space<vmem>> -> memref<40x128xi32, #tpu.memory_space<vmem>>
      %dma_start3A_43 = arith.constant 0 : i32
      %dma_start3A_44 = tpu.memref_slice %arg3[%add3A_21, %dma_start3A_43] : memref<2560x128xi32, #tpu.memory_space<hbm>> -> memref<40x128xi32, #tpu.memory_space<hbm>>
      %dma_start3A_45 = arith.constant 0 : i32
      %dma_start3A_46 = arith.constant 0 : i32
      %dma_start3A_47 = tpu.memref_slice %arg7[%dma_start3A_45, %dma_start3A_46] : memref<40x128xi32, #tpu.memory_space<vmem>> -> memref<40x128xi32, #tpu.memory_space<vmem>>
      %dma_start3A_48 = arith.constant 0 : i32
      %dma_start3A_49 = tpu.memref_slice %arg3[%add3A_21, %dma_start3A_48] : memref<2560x128xi32, #tpu.memory_space<hbm>> -> memref<40x128xi32, #tpu.memory_space<hbm>>
      tpu.enqueue_dma source(%dma_start3A_49 : memref<40x128xi32, #tpu.memory_space<hbm>>) target(%dma_start3A_47 : memref<40x128xi32, #tpu.memory_space<vmem>>) target_semaphore(%run_scoped3A : memref<!tpu.dma_semaphore, #tpu.memory_space<semaphore_mem>>)
      %dma_wait3A = arith.constant 0 : i32
      %dma_wait3A_50 = arith.constant 0 : i32
      %dma_wait3A_51 = tpu.memref_slice %arg7[%dma_wait3A, %dma_wait3A_50] : memref<40x128xi32, #tpu.memory_space<vmem>> -> memref<40x128xi32, #tpu.memory_space<vmem>>
      %dma_wait3A_52 = arith.constant 0 : i32
      %dma_wait3A_53 = tpu.memref_slice %arg3[%add3A_21, %dma_wait3A_52] : memref<2560x128xi32, #tpu.memory_space<hbm>> -> memref<40x128xi32, #tpu.memory_space<hbm>>
      %dma_wait3A_54 = arith.constant 0 : i32
      %dma_wait3A_55 = arith.constant 0 : i32
      %dma_wait3A_56 = tpu.memref_slice %arg7[%dma_wait3A_54, %dma_wait3A_55] : memref<40x128xi32, #tpu.memory_space<vmem>> -> memref<40x128xi32, #tpu.memory_space<vmem>>
      %dma_wait3A_57 = arith.constant 0 : i32
      %dma_wait3A_58 = tpu.memref_slice %arg3[%add3A_21, %dma_wait3A_57] : memref<2560x128xi32, #tpu.memory_space<hbm>> -> memref<40x128xi32, #tpu.memory_space<hbm>>
      tpu.wait_dma2 semaphore(%run_scoped3A : memref<!tpu.dma_semaphore, #tpu.memory_space<semaphore_mem>>) src(%dma_wait3A_58 : memref<40x128xi32, #tpu.memory_space<hbm>>) dst(%dma_wait3A_56 : memref<40x128xi32, #tpu.memory_space<vmem>>)
      tpu.yield
    }) : () -> ()
    "tpu.region"() ({
      %run_scoped3A = tpu.sem_alloc : memref<!tpu.dma_semaphore, #tpu.memory_space<semaphore_mem>>
      %dma_start3A_40 = arith.constant 0 : i32
      %dma_start3A_41 = arith.constant 0 : i32
      %dma_start3A_42 = tpu.memref_slice %arg8[%dma_start3A_40, %dma_start3A_41] : memref<40x128xi32, #tpu.memory_space<vmem>> -> memref<40x128xi32, #tpu.memory_space<vmem>>
      %dma_start3A_43 = arith.constant 0 : i32
      %dma_start3A_44 = tpu.memref_slice %arg4[%add3A_21, %dma_start3A_43] : memref<2560x128xi32, #tpu.memory_space<hbm>> -> memref<40x128xi32, #tpu.memory_space<hbm>>
      %dma_start3A_45 = arith.constant 0 : i32
      %dma_start3A_46 = arith.constant 0 : i32
      %dma_start3A_47 = tpu.memref_slice %arg8[%dma_start3A_45, %dma_start3A_46] : memref<40x128xi32, #tpu.memory_space<vmem>> -> memref<40x128xi32, #tpu.memory_space<vmem>>
      %dma_start3A_48 = arith.constant 0 : i32
      %dma_start3A_49 = tpu.memref_slice %arg4[%add3A_21, %dma_start3A_48] : memref<2560x128xi32, #tpu.memory_space<hbm>> -> memref<40x128xi32, #tpu.memory_space<hbm>>
      tpu.enqueue_dma source(%dma_start3A_49 : memref<40x128xi32, #tpu.memory_space<hbm>>) target(%dma_start3A_47 : memref<40x128xi32, #tpu.memory_space<vmem>>) target_semaphore(%run_scoped3A : memref<!tpu.dma_semaphore, #tpu.memory_space<semaphore_mem>>)
      %dma_wait3A = arith.constant 0 : i32
      %dma_wait3A_50 = arith.constant 0 : i32
      %dma_wait3A_51 = tpu.memref_slice %arg8[%dma_wait3A, %dma_wait3A_50] : memref<40x128xi32, #tpu.memory_space<vmem>> -> memref<40x128xi32, #tpu.memory_space<vmem>>
      %dma_wait3A_52 = arith.constant 0 : i32
      %dma_wait3A_53 = tpu.memref_slice %arg4[%add3A_21, %dma_wait3A_52] : memref<2560x128xi32, #tpu.memory_space<hbm>> -> memref<40x128xi32, #tpu.memory_space<hbm>>
      %dma_wait3A_54 = arith.constant 0 : i32
      %dma_wait3A_55 = arith.constant 0 : i32
      %dma_wait3A_56 = tpu.memref_slice %arg8[%dma_wait3A_54, %dma_wait3A_55] : memref<40x128xi32, #tpu.memory_space<vmem>> -> memref<40x128xi32, #tpu.memory_space<vmem>>
      %dma_wait3A_57 = arith.constant 0 : i32
      %dma_wait3A_58 = tpu.memref_slice %arg4[%add3A_21, %dma_wait3A_57] : memref<2560x128xi32, #tpu.memory_space<hbm>> -> memref<40x128xi32, #tpu.memory_space<hbm>>
      tpu.wait_dma2 semaphore(%run_scoped3A : memref<!tpu.dma_semaphore, #tpu.memory_space<semaphore_mem>>) src(%dma_wait3A_58 : memref<40x128xi32, #tpu.memory_space<hbm>>) dst(%dma_wait3A_56 : memref<40x128xi32, #tpu.memory_space<vmem>>)
      tpu.yield
    }) : () -> ()
    %dma_start3A_22 = arith.constant 0 : i32
    %dma_start3A_23 = arith.constant 0 : i32
    %dma_start3A_24 = tpu.memref_slice %arg7[%dma_start3A_22, %dma_start3A_23] : memref<40x128xi32, #tpu.memory_space<vmem>> -> memref<1x128xi32, #tpu.memory_space<vmem>>
    %dma_start3A_25 = tpu.memref_squeeze %dma_start3A_24 : memref<1x128xi32, #tpu.memory_space<vmem>> -> memref<128xi32, #tpu.memory_space<vmem>>
    %dma_start3A_26 = arith.constant 0 : i32
    %dma_start3A_27 = arith.constant 0 : i32
    %dma_start3A_28 = tpu.memref_slice %arg2[%dma_start3A_26, %dma_start3A_27] : memref<10240x128xf32, #tpu.memory_space<hbm>> -> memref<10240x128xf32, #tpu.memory_space<hbm>>
    tpu.enqueue_indirect_dma source(%dma_start3A_28 : memref<10240x128xf32, #tpu.memory_space<hbm>>) target(%arg9 : memref<128x128xf32, #tpu.memory_space<vmem>>) offsets(%dma_start3A_25 : memref<128xi32, #tpu.memory_space<vmem>>) semaphore(%arg12 : memref<!tpu.dma_semaphore, #tpu.memory_space<semaphore_mem>>)
    %scan3A_29 = arith.constant 0 : i32
    %scan3A_30 = arith.constant 0 : i32
    %scan3A_31 = arith.constant 20 : i32
    %scan3A_32 = arith.addi %scan3A_30, %scan3A_31 : i32
    %scan3A_33 = arith.constant 1 : i32
    scf.for %scan3A_40 = %scan3A_30 to %scan3A_32 step %scan3A_33  : i32 {
      %mul3A_41 = arith.constant 2 : i32
      %mul3A_42 = arith.muli %mul3A_41, %scan3A_40 : i32
      %add3A_43 = arith.constant 1 : i32
      %add3A_44 = arith.addi %mul3A_42, %add3A_43 : i32
      %dma_start3A_45 = arith.constant 0 : i32
      %dma_start3A_46 = tpu.memref_slice %arg7[%add3A_44, %dma_start3A_45] : memref<40x128xi32, #tpu.memory_space<vmem>> -> memref<1x128xi32, #tpu.memory_space<vmem>>
      %dma_start3A_47 = tpu.memref_squeeze %dma_start3A_46 : memref<1x128xi32, #tpu.memory_space<vmem>> -> memref<128xi32, #tpu.memory_space<vmem>>
      %dma_start3A_48 = arith.constant 0 : i32
      %dma_start3A_49 = arith.constant 0 : i32
      %dma_start3A_50 = tpu.memref_slice %arg2[%dma_start3A_48, %dma_start3A_49] : memref<10240x128xf32, #tpu.memory_space<hbm>> -> memref<10240x128xf32, #tpu.memory_space<hbm>>
      tpu.enqueue_indirect_dma source(%dma_start3A_50 : memref<10240x128xf32, #tpu.memory_space<hbm>>) target(%arg10 : memref<128x128xf32, #tpu.memory_space<vmem>>) offsets(%dma_start3A_47 : memref<128xi32, #tpu.memory_space<vmem>>) semaphore(%arg13 : memref<!tpu.dma_semaphore, #tpu.memory_space<semaphore_mem>>)
      %dma_wait3A = arith.constant 0 : i32
      %dma_wait3A_51 = tpu.memref_slice %arg7[%mul3A_42, %dma_wait3A] : memref<40x128xi32, #tpu.memory_space<vmem>> -> memref<1x128xi32, #tpu.memory_space<vmem>>
      %dma_wait3A_52 = tpu.memref_squeeze %dma_wait3A_51 : memref<1x128xi32, #tpu.memory_space<vmem>> -> memref<128xi32, #tpu.memory_space<vmem>>
      %dma_wait3A_53 = arith.constant 0 : i32
      %dma_wait3A_54 = arith.constant 0 : i32
      %dma_wait3A_55 = tpu.memref_slice %arg2[%dma_wait3A_53, %dma_wait3A_54] : memref<10240x128xf32, #tpu.memory_space<hbm>> -> memref<10240x128xf32, #tpu.memory_space<hbm>>
      tpu.wait_indirect_dma semaphore(%arg12 : memref<!tpu.dma_semaphore, #tpu.memory_space<semaphore_mem>>) src(%dma_wait3A_55 : memref<10240x128xf32, #tpu.memory_space<hbm>>) dst(%arg9 : memref<128x128xf32, #tpu.memory_space<vmem>>)
      %dma_start3A_56 = arith.constant 0 : i32
      %dma_start3A_57 = tpu.memref_slice %arg8[%mul3A_42, %dma_start3A_56] : memref<40x128xi32, #tpu.memory_space<vmem>> -> memref<1x128xi32, #tpu.memory_space<vmem>>
      %dma_start3A_58 = tpu.memref_squeeze %dma_start3A_57 : memref<1x128xi32, #tpu.memory_space<vmem>> -> memref<128xi32, #tpu.memory_space<vmem>>
      %dma_start3A_59 = arith.constant 0 : i32
      %dma_start3A_60 = arith.constant 0 : i32
      %dma_start3A_61 = tpu.memref_slice %arg11[%dma_start3A_59, %dma_start3A_60] : memref<10240x128xf32, #tpu.memory_space<vmem_shared>> -> memref<10240x128xf32, #tpu.memory_space<vmem_shared>>
      tpu.enqueue_indirect_dma source(%arg9 : memref<128x128xf32, #tpu.memory_space<vmem>>) target(%dma_start3A_61 : memref<10240x128xf32, #tpu.memory_space<vmem_shared>>) offsets(%dma_start3A_58 : memref<128xi32, #tpu.memory_space<vmem>>) semaphore(%arg14 : memref<!tpu.dma_semaphore, #tpu.memory_space<semaphore_mem>>) {add = true}
      %dma_wait3A_62 = arith.constant 0 : i32
      %dma_wait3A_63 = tpu.memref_slice %arg7[%add3A_44, %dma_wait3A_62] : memref<40x128xi32, #tpu.memory_space<vmem>> -> memref<1x128xi32, #tpu.memory_space<vmem>>
      %dma_wait3A_64 = tpu.memref_squeeze %dma_wait3A_63 : memref<1x128xi32, #tpu.memory_space<vmem>> -> memref<128xi32, #tpu.memory_space<vmem>>
      %dma_wait3A_65 = arith.constant 0 : i32
      %dma_wait3A_66 = arith.constant 0 : i32
      %dma_wait3A_67 = tpu.memref_slice %arg2[%dma_wait3A_65, %dma_wait3A_66] : memref<10240x128xf32, #tpu.memory_space<hbm>> -> memref<10240x128xf32, #tpu.memory_space<hbm>>
      tpu.wait_indirect_dma semaphore(%arg13 : memref<!tpu.dma_semaphore, #tpu.memory_space<semaphore_mem>>) src(%dma_wait3A_67 : memref<10240x128xf32, #tpu.memory_space<hbm>>) dst(%arg10 : memref<128x128xf32, #tpu.memory_space<vmem>>)
      %dma_start3A_68 = arith.constant 0 : i32
      %dma_start3A_69 = tpu.memref_slice %arg8[%add3A_44, %dma_start3A_68] : memref<40x128xi32, #tpu.memory_space<vmem>> -> memref<1x128xi32, #tpu.memory_space<vmem>>
      %dma_start3A_70 = tpu.memref_squeeze %dma_start3A_69 : memref<1x128xi32, #tpu.memory_space<vmem>> -> memref<128xi32, #tpu.memory_space<vmem>>
      %dma_start3A_71 = arith.constant 0 : i32
      %dma_start3A_72 = arith.constant 0 : i32
      %dma_start3A_73 = tpu.memref_slice %arg11[%dma_start3A_71, %dma_start3A_72] : memref<10240x128xf32, #tpu.memory_space<vmem_shared>> -> memref<10240x128xf32, #tpu.memory_space<vmem_shared>>
      tpu.enqueue_indirect_dma source(%arg10 : memref<128x128xf32, #tpu.memory_space<vmem>>) target(%dma_start3A_73 : memref<10240x128xf32, #tpu.memory_space<vmem_shared>>) offsets(%dma_start3A_70 : memref<128xi32, #tpu.memory_space<vmem>>) semaphore(%arg15 : memref<!tpu.dma_semaphore, #tpu.memory_space<semaphore_mem>>) {add = true}
      %dma_wait3A_74 = arith.constant 0 : i32
      %dma_wait3A_75 = tpu.memref_slice %arg8[%mul3A_42, %dma_wait3A_74] : memref<40x128xi32, #tpu.memory_space<vmem>> -> memref<1x128xi32, #tpu.memory_space<vmem>>
      %dma_wait3A_76 = tpu.memref_squeeze %dma_wait3A_75 : memref<1x128xi32, #tpu.memory_space<vmem>> -> memref<128xi32, #tpu.memory_space<vmem>>
      %dma_wait3A_77 = arith.constant 0 : i32
      %dma_wait3A_78 = arith.constant 0 : i32
      %dma_wait3A_79 = tpu.memref_slice %arg11[%dma_wait3A_77, %dma_wait3A_78] : memref<10240x128xf32, #tpu.memory_space<vmem_shared>> -> memref<10240x128xf32, #tpu.memory_space<vmem_shared>>
      tpu.wait_indirect_dma semaphore(%arg14 : memref<!tpu.dma_semaphore, #tpu.memory_space<semaphore_mem>>) src(%arg9 : memref<128x128xf32, #tpu.memory_space<vmem>>) dst(%dma_wait3A_79 : memref<10240x128xf32, #tpu.memory_space<vmem_shared>>)
      %lt3A = arith.constant 19 : i32
      %lt3A_80 = arith.cmpi slt, %scan3A_40, %lt3A : i32
      %convert_element_type3A = arith.extui %lt3A_80 : i1 to i32
      %cond3A = arith.constant 0 : i32
      %cond3A_81 = arith.cmpi ne, %convert_element_type3A, %cond3A : i32
      scf.if %cond3A_81 {
        %add3A_88 = arith.constant 2 : i32
        %add3A_89 = arith.addi %mul3A_42, %add3A_88 : i32
        %dma_start3A_90 = arith.constant 0 : i32
        %dma_start3A_91 = tpu.memref_slice %arg7[%add3A_89, %dma_start3A_90] : memref<40x128xi32, #tpu.memory_space<vmem>> -> memref<1x128xi32, #tpu.memory_space<vmem>>
        %dma_start3A_92 = tpu.memref_squeeze %dma_start3A_91 : memref<1x128xi32, #tpu.memory_space<vmem>> -> memref<128xi32, #tpu.memory_space<vmem>>
        %dma_start3A_93 = arith.constant 0 : i32
        %dma_start3A_94 = arith.constant 0 : i32
        %dma_start3A_95 = tpu.memref_slice %arg2[%dma_start3A_93, %dma_start3A_94] : memref<10240x128xf32, #tpu.memory_space<hbm>> -> memref<10240x128xf32, #tpu.memory_space<hbm>>
        tpu.enqueue_indirect_dma source(%dma_start3A_95 : memref<10240x128xf32, #tpu.memory_space<hbm>>) target(%arg9 : memref<128x128xf32, #tpu.memory_space<vmem>>) offsets(%dma_start3A_92 : memref<128xi32, #tpu.memory_space<vmem>>) semaphore(%arg12 : memref<!tpu.dma_semaphore, #tpu.memory_space<semaphore_mem>>)
      } else {
      }
      %dma_wait3A_82 = arith.constant 0 : i32
      %dma_wait3A_83 = tpu.memref_slice %arg8[%add3A_44, %dma_wait3A_82] : memref<40x128xi32, #tpu.memory_space<vmem>> -> memref<1x128xi32, #tpu.memory_space<vmem>>
      %dma_wait3A_84 = tpu.memref_squeeze %dma_wait3A_83 : memref<1x128xi32, #tpu.memory_space<vmem>> -> memref<128xi32, #tpu.memory_space<vmem>>
      %dma_wait3A_85 = arith.constant 0 : i32
      %dma_wait3A_86 = arith.constant 0 : i32
      %dma_wait3A_87 = tpu.memref_slice %arg11[%dma_wait3A_85, %dma_wait3A_86] : memref<10240x128xf32, #tpu.memory_space<vmem_shared>> -> memref<10240x128xf32, #tpu.memory_space<vmem_shared>>
      tpu.wait_indirect_dma semaphore(%arg15 : memref<!tpu.dma_semaphore, #tpu.memory_space<semaphore_mem>>) src(%arg10 : memref<128x128xf32, #tpu.memory_space<vmem>>) dst(%dma_wait3A_87 : memref<10240x128xf32, #tpu.memory_space<vmem_shared>>)
    }
    %scan3A_34 = arith.constant 20 : i32
    %barrier3A_35 = arith.constant 0 : index
    tpu.barrier barrier_id(%barrier3A_35)
    %mul3A_36 = arith.constant 640 : i32
    %mul3A_37 = arith.muli %arg1, %mul3A_36 : i32
    %mul3A_38 = arith.constant 640 : i32
    %mul3A_39 = arith.muli %arg1, %mul3A_38 : i32
    "tpu.region"() ({
      %run_scoped3A = tpu.sem_alloc : memref<!tpu.dma_semaphore, #tpu.memory_space<semaphore_mem>>
      %dma_start3A_40 = arith.constant 0 : i32
      %dma_start3A_41 = tpu.memref_slice %arg6[%arg0, %mul3A_39, %dma_start3A_40] : memref<2x10240x128xf32, #tpu.memory_space<hbm>> -> memref<1x640x128xf32, #tpu.memory_space<hbm>>
      %dma_start3A_42 = tpu.memref_squeeze %dma_start3A_41 : memref<1x640x128xf32, #tpu.memory_space<hbm>> -> memref<640x128xf32, #tpu.memory_space<hbm>>
      %dma_start3A_43 = arith.constant 0 : i32
      %dma_start3A_44 = tpu.memref_slice %arg11[%mul3A_37, %dma_start3A_43] : memref<10240x128xf32, #tpu.memory_space<vmem_shared>> -> memref<640x128xf32, #tpu.memory_space<vmem_shared>>
      tpu.enqueue_dma source(%dma_start3A_44 : memref<640x128xf32, #tpu.memory_space<vmem_shared>>) target(%dma_start3A_42 : memref<640x128xf32, #tpu.memory_space<hbm>>) target_semaphore(%run_scoped3A : memref<!tpu.dma_semaphore, #tpu.memory_space<semaphore_mem>>)
      %dma_wait3A = arith.constant 0 : i32
      %dma_wait3A_45 = tpu.memref_slice %arg6[%arg0, %mul3A_39, %dma_wait3A] : memref<2x10240x128xf32, #tpu.memory_space<hbm>> -> memref<1x640x128xf32, #tpu.memory_space<hbm>>
      %dma_wait3A_46 = tpu.memref_squeeze %dma_wait3A_45 : memref<1x640x128xf32, #tpu.memory_space<hbm>> -> memref<640x128xf32, #tpu.memory_space<hbm>>
      %dma_wait3A_47 = arith.constant 0 : i32
      %dma_wait3A_48 = tpu.memref_slice %arg11[%mul3A_37, %dma_wait3A_47] : memref<10240x128xf32, #tpu.memory_space<vmem_shared>> -> memref<640x128xf32, #tpu.memory_space<vmem_shared>>
      tpu.wait_dma2 semaphore(%run_scoped3A : memref<!tpu.dma_semaphore, #tpu.memory_space<semaphore_mem>>) src(%dma_wait3A_48 : memref<640x128xf32, #tpu.memory_space<vmem_shared>>) dst(%dma_wait3A_46 : memref<640x128xf32, #tpu.memory_space<hbm>>)
      tpu.yield
    }) : () -> ()
    return
  }
}

module attributes {stable_mosaic.version = 14 : i64} {
  func.func @_k1_body(%arg0: i32, %arg1: memref<1280x128xf32, #tpu.memory_space<vmem>>, %arg2: memref<128x128xf32, #tpu.memory_space<vmem>>, %arg3: memref<2x1280x128xf32, #tpu.memory_space<vmem>>, %arg4: memref<1280x128xf32, #tpu.memory_space<vmem>>, %arg5: memref<1280x8xf32, #tpu.memory_space<vmem>>) attributes {dimension_semantics = [#tpu.dimension_semantics<arbitrary>], iteration_bounds = array<i64: 8>, scalar_prefetch = 0 : i64, scratch_operands = 0 : i64, tpu.core_type = #tpu.core_type<tc>, window_params = [{transform_indices = @transform_0, window_bounds = array<i64: 1280, 128>}, {pipeline_mode = #tpu.pipeline_mode<synchronous>, transform_indices = @transform_1, window_bounds = array<i64: 128, 128>}, {transform_indices = @transform_2, window_bounds = array<i64: 2, 1280, 128>}, {transform_indices = @transform_3, window_bounds = array<i64: 1280, 128>}, {transform_indices = @transform_4, window_bounds = array<i64: 1280, 8>}]} {
    %get3A = arith.constant 0 : index
    %get3A_0 = arith.constant 0 : index
    %get3A_1 = arith.constant 0 : index
    %get3A_2 = vector.load %arg3[%get3A, %get3A_0, %get3A_1] : memref<2x1280x128xf32, #tpu.memory_space<vmem>>, vector<1x1280x128xf32>
    %get3A_3 = vector.shape_cast %get3A_2 : vector<1x1280x128xf32> to vector<1280x128xf32>
    %slice3A = vector.extract_strided_slice %get3A_3 {offsets = [0, 0], sizes = [1280, 1], strides = [1, 1]} : vector<1280x128xf32> to vector<1280x1xf32>
    %get3A_4 = arith.constant 1 : index
    %get3A_5 = arith.constant 0 : index
    %get3A_6 = arith.constant 0 : index
    %get3A_7 = vector.load %arg3[%get3A_4, %get3A_5, %get3A_6] : memref<2x1280x128xf32, #tpu.memory_space<vmem>>, vector<1x1280x128xf32>
    %get3A_8 = vector.shape_cast %get3A_7 : vector<1x1280x128xf32> to vector<1280x128xf32>
    %slice3A_9 = vector.extract_strided_slice %get3A_8 {offsets = [0, 0], sizes = [1280, 1], strides = [1, 1]} : vector<1280x128xf32> to vector<1280x1xf32>
    %add3A = arith.addf %slice3A, %slice3A_9 : vector<1280x1xf32>
    %add3A_10 = arith.constant 1.000000e+00 : f32
    %add3A_11 = vector.broadcast %add3A_10 : f32 to vector<1280x1xf32>
    %add3A_12 = arith.addf %add3A, %add3A_11 : vector<1280x1xf32>
    %rsqrt3A = math.rsqrt %add3A_12 : vector<1280x1xf32>
    %broadcast_in_dim3A = vector.shape_cast %rsqrt3A : vector<1280x1xf32> to vector<1280x1xf32>
    %broadcast_in_dim3A_13 = vector.broadcast %broadcast_in_dim3A : vector<1280x1xf32> to vector<1280x8xf32>
    %swap3A = arith.constant 0 : index
    %swap3A_14 = arith.constant 0 : index
    %swap3A_15 = vector.load %arg5[%swap3A, %swap3A_14] : memref<1280x8xf32, #tpu.memory_space<vmem>>, vector<1280x8xf32>
    tpu.vector_store %arg5[%swap3A, %swap3A_14], %broadcast_in_dim3A_13 {strides = array<i32>} : memref<1280x8xf32, #tpu.memory_space<vmem>>, vector<1280x8xf32>,
    %get3A_16 = arith.constant 0 : index
    %get3A_17 = arith.constant 0 : index
    %get3A_18 = vector.load %arg1[%get3A_16, %get3A_17] : memref<1280x128xf32, #tpu.memory_space<vmem>>, vector<1280x128xf32>
    %get3A_19 = arith.constant 0 : index
    %get3A_20 = arith.constant 0 : index
    %get3A_21 = vector.load %arg2[%get3A_19, %get3A_20] : memref<128x128xf32, #tpu.memory_space<vmem>>, vector<128x128xf32>
    %dot_general3A = arith.constant dense<0.000000e+00> : vector<1280x128xf32>
    %dot_general3A_22 = tpu.matmul %get3A_18, %get3A_21, %dot_general3A {dimension_numbers = #tpu.dot_dimension_numbers<[1], [0], [0], [1], [0, 0, 1, 1], [], []>, transpose_lhs_hint = false} : vector<1280x128xf32>, vector<128x128xf32>, vector<1280x128xf32> -> vector<1280x128xf32>
    %mul3A = vector.broadcast %rsqrt3A : vector<1280x1xf32> to vector<1280x128xf32>
    %mul3A_23 = arith.mulf %dot_general3A_22, %mul3A : vector<1280x128xf32>
    %swap3A_24 = arith.constant 0 : index
    %swap3A_25 = arith.constant 0 : index
    %swap3A_26 = vector.load %arg4[%swap3A_24, %swap3A_25] : memref<1280x128xf32, #tpu.memory_space<vmem>>, vector<1280x128xf32>
    tpu.vector_store %arg4[%swap3A_24, %swap3A_25], %mul3A_23 {strides = array<i32>} : memref<1280x128xf32, #tpu.memory_space<vmem>>, vector<1280x128xf32>,
    return
  }
  func.func @transform_0(%arg0: i32) -> (i32, i32) {
    %c0_i32 = arith.constant 0 : i32
    %c0_i32_0 = arith.constant 0 : i32
    return %arg0, %c0_i32 : i32, i32
  }
  func.func @transform_1(%arg0: i32) -> (i32, i32) {
    %c0_i32 = arith.constant 0 : i32
    %c0_i32_0 = arith.constant 0 : i32
    %c0_i32_1 = arith.constant 0 : i32
    return %c0_i32, %c0_i32_0 : i32, i32
  }
  func.func @transform_2(%arg0: i32) -> (i32, i32, i32) {
    %c0_i32 = arith.constant 0 : i32
    %c0_i32_0 = arith.constant 0 : i32
    %c0_i32_1 = arith.constant 0 : i32
    return %c0_i32, %arg0, %c0_i32_0 : i32, i32, i32
  }
  func.func @transform_3(%arg0: i32) -> (i32, i32) {
    %c0_i32 = arith.constant 0 : i32
    %c0_i32_0 = arith.constant 0 : i32
    return %arg0, %c0_i32 : i32, i32
  }
  func.func @transform_4(%arg0: i32) -> (i32, i32) {
    %c0_i32 = arith.constant 0 : i32
    %c0_i32_0 = arith.constant 0 : i32
    return %arg0, %c0_i32 : i32, i32
  }
}

module attributes {stable_mosaic.version = 14 : i64} {
  func.func @_k3_body(%arg0: i32, %arg1: memref<2x1280x128xf32, #tpu.memory_space<vmem>>, %arg2: memref<1280x128xf32, #tpu.memory_space<vmem>>, %arg3: memref<1280x8xf32, #tpu.memory_space<vmem>>, %arg4: memref<1x128xf32, #tpu.memory_space<vmem>>, %arg5: memref<1280x128xf32, #tpu.memory_space<vmem>>) attributes {dimension_semantics = [#tpu.dimension_semantics<arbitrary>], iteration_bounds = array<i64: 8>, scalar_prefetch = 0 : i64, scratch_operands = 0 : i64, tpu.core_type = #tpu.core_type<tc>, window_params = [{transform_indices = @transform_0, window_bounds = array<i64: 2, 1280, 128>}, {transform_indices = @transform_1, window_bounds = array<i64: 1280, 128>}, {transform_indices = @transform_2, window_bounds = array<i64: 1280, 8>}, {pipeline_mode = #tpu.pipeline_mode<synchronous>, transform_indices = @transform_3, window_bounds = array<i64: 1, 128>}, {transform_indices = @transform_4, window_bounds = array<i64: 1280, 128>}]} {
    %get3A = arith.constant 0 : index
    %get3A_0 = arith.constant 0 : index
    %get3A_1 = vector.load %arg3[%get3A, %get3A_0] : memref<1280x8xf32, #tpu.memory_space<vmem>>, vector<1280x8xf32>
    %slice3A = vector.extract_strided_slice %get3A_1 {offsets = [0, 0], sizes = [1280, 1], strides = [1, 1]} : vector<1280x8xf32> to vector<1280x1xf32>
    %get3A_2 = arith.constant 0 : index
    %get3A_3 = arith.constant 0 : index
    %get3A_4 = arith.constant 0 : index
    %get3A_5 = vector.load %arg1[%get3A_2, %get3A_3, %get3A_4] : memref<2x1280x128xf32, #tpu.memory_space<vmem>>, vector<1x1280x128xf32>
    %get3A_6 = vector.shape_cast %get3A_5 : vector<1x1280x128xf32> to vector<1280x128xf32>
    %get3A_7 = arith.constant 1 : index
    %get3A_8 = arith.constant 0 : index
    %get3A_9 = arith.constant 0 : index
    %get3A_10 = vector.load %arg1[%get3A_7, %get3A_8, %get3A_9] : memref<2x1280x128xf32, #tpu.memory_space<vmem>>, vector<1x1280x128xf32>
    %get3A_11 = vector.shape_cast %get3A_10 : vector<1x1280x128xf32> to vector<1280x128xf32>
    %add3A = arith.addf %get3A_6, %get3A_11 : vector<1280x128xf32>
    %get3A_12 = arith.constant 0 : index
    %get3A_13 = arith.constant 0 : index
    %get3A_14 = vector.load %arg2[%get3A_12, %get3A_13] : memref<1280x128xf32, #tpu.memory_space<vmem>>, vector<1280x128xf32>
    %add3A_15 = arith.addf %add3A, %get3A_14 : vector<1280x128xf32>
    %mul3A = vector.broadcast %slice3A : vector<1280x1xf32> to vector<1280x128xf32>
    %mul3A_16 = arith.mulf %add3A_15, %mul3A : vector<1280x128xf32>
    %get3A_17 = arith.constant 0 : index
    %get3A_18 = arith.constant 0 : index
    %get3A_19 = vector.load %arg4[%get3A_17, %get3A_18] : memref<1x128xf32, #tpu.memory_space<vmem>>, vector<1x128xf32>
    %add3A_20 = vector.broadcast %get3A_19 : vector<1x128xf32> to vector<1280x128xf32>
    %add3A_21 = arith.addf %mul3A_16, %add3A_20 : vector<1280x128xf32>
    %swap3A = arith.constant 0 : index
    %swap3A_22 = arith.constant 0 : index
    %swap3A_23 = vector.load %arg5[%swap3A, %swap3A_22] : memref<1280x128xf32, #tpu.memory_space<vmem>>, vector<1280x128xf32>
    tpu.vector_store %arg5[%swap3A, %swap3A_22], %add3A_21 {strides = array<i32>} : memref<1280x128xf32, #tpu.memory_space<vmem>>, vector<1280x128xf32>,
    return
  }
  func.func @transform_0(%arg0: i32) -> (i32, i32, i32) {
    %c0_i32 = arith.constant 0 : i32
    %c0_i32_0 = arith.constant 0 : i32
    %c0_i32_1 = arith.constant 0 : i32
    return %c0_i32, %arg0, %c0_i32_0 : i32, i32, i32
  }
  func.func @transform_1(%arg0: i32) -> (i32, i32) {
    %c0_i32 = arith.constant 0 : i32
    %c0_i32_0 = arith.constant 0 : i32
    return %arg0, %c0_i32 : i32, i32
  }
  func.func @transform_2(%arg0: i32) -> (i32, i32) {
    %c0_i32 = arith.constant 0 : i32
    %c0_i32_0 = arith.constant 0 : i32
    return %arg0, %c0_i32 : i32, i32
  }
  func.func @transform_3(%arg0: i32) -> (i32, i32) {
    %c0_i32 = arith.constant 0 : i32
    %c0_i32_0 = arith.constant 0 : i32
    %c0_i32_1 = arith.constant 0 : i32
    return %c0_i32, %c0_i32_0 : i32, i32
  }
  func.func @transform_4(%arg0: i32) -> (i32, i32) {
    %c0_i32 = arith.constant 0 : i32
    %c0_i32_0 = arith.constant 0 : i32
    return %arg0, %c0_i32 : i32, i32
  }
}

module attributes {stable_mosaic.version = 14 : i64} {
  func.func @_k2_body(%arg0: i32, %arg1: memref<2x1280x128xf32, #tpu.memory_space<vmem>>, %arg2: memref<1280x128xf32, #tpu.memory_space<vmem>>, %arg3: memref<1280x8xf32, #tpu.memory_space<vmem>>, %arg4: memref<1x128xf32, #tpu.memory_space<vmem>>, %arg5: memref<128x128xf32, #tpu.memory_space<vmem>>, %arg6: memref<1280x128xf32, #tpu.memory_space<vmem>>) attributes {dimension_semantics = [#tpu.dimension_semantics<arbitrary>], iteration_bounds = array<i64: 8>, scalar_prefetch = 0 : i64, scratch_operands = 0 : i64, tpu.core_type = #tpu.core_type<tc>, window_params = [{transform_indices = @transform_0, window_bounds = array<i64: 2, 1280, 128>}, {transform_indices = @transform_1, window_bounds = array<i64: 1280, 128>}, {transform_indices = @transform_2, window_bounds = array<i64: 1280, 8>}, {pipeline_mode = #tpu.pipeline_mode<synchronous>, transform_indices = @transform_3, window_bounds = array<i64: 1, 128>}, {pipeline_mode = #tpu.pipeline_mode<synchronous>, transform_indices = @transform_4, window_bounds = array<i64: 128, 128>}, {transform_indices = @transform_5, window_bounds = array<i64: 1280, 128>}]} {
    %get3A = arith.constant 0 : index
    %get3A_0 = arith.constant 0 : index
    %get3A_1 = vector.load %arg3[%get3A, %get3A_0] : memref<1280x8xf32, #tpu.memory_space<vmem>>, vector<1280x8xf32>
    %slice3A = vector.extract_strided_slice %get3A_1 {offsets = [0, 0], sizes = [1280, 1], strides = [1, 1]} : vector<1280x8xf32> to vector<1280x1xf32>
    %get3A_2 = arith.constant 0 : index
    %get3A_3 = arith.constant 0 : index
    %get3A_4 = arith.constant 0 : index
    %get3A_5 = vector.load %arg1[%get3A_2, %get3A_3, %get3A_4] : memref<2x1280x128xf32, #tpu.memory_space<vmem>>, vector<1x1280x128xf32>
    %get3A_6 = vector.shape_cast %get3A_5 : vector<1x1280x128xf32> to vector<1280x128xf32>
    %get3A_7 = arith.constant 1 : index
    %get3A_8 = arith.constant 0 : index
    %get3A_9 = arith.constant 0 : index
    %get3A_10 = vector.load %arg1[%get3A_7, %get3A_8, %get3A_9] : memref<2x1280x128xf32, #tpu.memory_space<vmem>>, vector<1x1280x128xf32>
    %get3A_11 = vector.shape_cast %get3A_10 : vector<1x1280x128xf32> to vector<1280x128xf32>
    %add3A = arith.addf %get3A_6, %get3A_11 : vector<1280x128xf32>
    %get3A_12 = arith.constant 0 : index
    %get3A_13 = arith.constant 0 : index
    %get3A_14 = vector.load %arg2[%get3A_12, %get3A_13] : memref<1280x128xf32, #tpu.memory_space<vmem>>, vector<1280x128xf32>
    %add3A_15 = arith.addf %add3A, %get3A_14 : vector<1280x128xf32>
    %mul3A = vector.broadcast %slice3A : vector<1280x1xf32> to vector<1280x128xf32>
    %mul3A_16 = arith.mulf %add3A_15, %mul3A : vector<1280x128xf32>
    %get3A_17 = arith.constant 0 : index
    %get3A_18 = arith.constant 0 : index
    %get3A_19 = vector.load %arg4[%get3A_17, %get3A_18] : memref<1x128xf32, #tpu.memory_space<vmem>>, vector<1x128xf32>
    %add3A_20 = vector.broadcast %get3A_19 : vector<1x128xf32> to vector<1280x128xf32>
    %add3A_21 = arith.addf %mul3A_16, %add3A_20 : vector<1280x128xf32>
    %max3A = arith.constant 0.000000e+00 : f32
    %max3A_22 = vector.broadcast %max3A : f32 to vector<1280x128xf32>
    %max3A_23 = arith.maximumf %add3A_21, %max3A_22 : vector<1280x128xf32>
    %get3A_24 = arith.constant 0 : index
    %get3A_25 = arith.constant 0 : index
    %get3A_26 = vector.load %arg5[%get3A_24, %get3A_25] : memref<128x128xf32, #tpu.memory_space<vmem>>, vector<128x128xf32>
    %dot_general3A = arith.constant dense<0.000000e+00> : vector<1280x128xf32>
    %dot_general3A_27 = tpu.matmul %max3A_23, %get3A_26, %dot_general3A {dimension_numbers = #tpu.dot_dimension_numbers<[1], [0], [0], [1], [0, 0, 1, 1], [], []>, transpose_lhs_hint = false} : vector<1280x128xf32>, vector<128x128xf32>, vector<1280x128xf32> -> vector<1280x128xf32>
    %mul3A_28 = vector.broadcast %slice3A : vector<1280x1xf32> to vector<1280x128xf32>
    %mul3A_29 = arith.mulf %dot_general3A_27, %mul3A_28 : vector<1280x128xf32>
    %swap3A = arith.constant 0 : index
    %swap3A_30 = arith.constant 0 : index
    %swap3A_31 = vector.load %arg6[%swap3A, %swap3A_30] : memref<1280x128xf32, #tpu.memory_space<vmem>>, vector<1280x128xf32>
    tpu.vector_store %arg6[%swap3A, %swap3A_30], %mul3A_29 {strides = array<i32>} : memref<1280x128xf32, #tpu.memory_space<vmem>>, vector<1280x128xf32>,
    return
  }
  func.func @transform_0(%arg0: i32) -> (i32, i32, i32) {
    %c0_i32 = arith.constant 0 : i32
    %c0_i32_0 = arith.constant 0 : i32
    %c0_i32_1 = arith.constant 0 : i32
    return %c0_i32, %arg0, %c0_i32_0 : i32, i32, i32
  }
  func.func @transform_1(%arg0: i32) -> (i32, i32) {
    %c0_i32 = arith.constant 0 : i32
    %c0_i32_0 = arith.constant 0 : i32
    return %arg0, %c0_i32 : i32, i32
  }
  func.func @transform_2(%arg0: i32) -> (i32, i32) {
    %c0_i32 = arith.constant 0 : i32
    %c0_i32_0 = arith.constant 0 : i32
    return %arg0, %c0_i32 : i32, i32
  }
  func.func @transform_3(%arg0: i32) -> (i32, i32) {
    %c0_i32 = arith.constant 0 : i32
    %c0_i32_0 = arith.constant 0 : i32
    %c0_i32_1 = arith.constant 0 : i32
    return %c0_i32, %c0_i32_0 : i32, i32
  }
  func.func @transform_4(%arg0: i32) -> (i32, i32) {
    %c0_i32 = arith.constant 0 : i32
    %c0_i32_0 = arith.constant 0 : i32
    %c0_i32_1 = arith.constant 0 : i32
    return %c0_i32, %c0_i32_0 : i32, i32
  }
  func.func @transform_5(%arg0: i32) -> (i32, i32) {
    %c0_i32 = arith.constant 0 : i32
    %c0_i32_0 = arith.constant 0 : i32
    return %arg0, %c0_i32 : i32, i32
  }
}

</mosaic_0001>

<sc_bundles>
// kernel: kernel.11.cloned.1.call-start
scs
__scs_entry_jumppad:
0x0: {  	(pc) =	sbr.rel $0x88, $3  }
0x1: {  	(tag) =	ssettag $0x0;
	lr =	simm.s32 $0x1  }
0x2: {  	[smem:$0x3F9B] =	sst lr;
	_ =	strace $0xD0000000  }
0x3: {  	_ = 	snop  }
0x4: {  	_ = 	snop  }
0x5: {  	_ = 	snop  }
0x6: {  	_ = 	snop  }
0x7: {  	_ = 	snop  }
__scs_overlays_trampoline_lowered:
0x8: {  	[smem:$0x3FAA] =	sst s0  }
0x9: {  	[smem:$0x3FAB] =	sst s1  }
0xa: {  	[smem:$0x3FAC] =	sst s2  }
0xb: {  	[smem:$0x3FAD] =	sst s3  }
0xc: {  	[smem:$0x3FAE] =	sst s4  }
0xd: {  	[smem:$0x3FAF] =	sst s5  }
0xe: {  	[smem:$0x3FB0] =	sst s6  }
0xf: {  	[smem:$0x3FB1] =	sst s7  }
0x10: {  	[smem:$0x3FB2] =	sst s8  }
0x11: {  	[smem:$0x3FB3] =	sst s9;
	s0 =	simm.s32 @!p0 $0x0  }
0x12: {  	s1 =	sld [smem:$0x3F99];
	s0 =	simm.s32 @p0 $0x1  }
0x13: {  	[smem:$0x3FB4] =	sst s0;
	s0 =	simm.s32 @!p1 $0x0  }
0x14: {  	s2 =	sld [smem:$0x3F98];
	s0 =	simm.s32 @p1 $0x1  }
0x15: {  	[smem:$0x3FB5] =	sst s0;
	s0 =	simm.s32 @!p2 $0x0  }
0x16: {  	s3 =	sld [smem:$0x3FDB];
	s0 =	simm.s32 @p2 $0x1  }
0x17: {  	s4 =	simm.s32 $0x1BF5;
	[smem:$0x3FB7] =	sst s0  }
0x18: {  	s0 =	sld [smem:$0x3F9A];
	_ =	swait.ge [sflag:s4], $0x0  }
0x19: {  	s7 =	sld [smem:$0x3F9B]  }
0x1a: {  	s8 =	sadd.s32 $0xFFFFE003, lr  }
0x1b: {  	s9 =	sadd.s32 $0xFFFFFEF7, lr;
	s5 =	simm.s32 $0xFFFFFFFF;
	p2 =	slt.u32 s8, $0xFFFFF086  }
0x1c: {  	p1 =	slt.u32 s9, $0xF7A;
	s5 =	simm.s32 @!p2 $0x0  }
0x1d: {  	s5 =	simm.s32 @p1 $0x1;
	p0 =	seq.s32 s7, s2  }
0x1e: {  	s7 =	smul.u32 @!p0 $0xF7A, s2;
	p2 =	seq.s32 @!p0 s5, $0x0  }
0x1f: {  	s9 =	smul.u32 $0xF7A, s1;
	s8 =	simm.s32 @!p0 $0x1BF5;
	p2 =	por !p2, p0  }
0x20: {  	[sflag:s8] =	ssyncset.s32 @!p0 $0xFFFFF086;
	s6 =	sadd.s32 @!p0 s3, s7;
	s7 =	simm.s32 @!p0 $0x108  }
0x21: {  	s3 =	sadd.s32 s3, s9;
	s6 =	sadd.s32 @!p0 $0x88, s6;
	s7 =	simm.s32 @p2 $0x1082  }
0x22: {  	[simem:s7], [sflag:s8] =	dma.local @!p0 [hbm:s6], $0xF7A  }
0x23: {  	s9 =	sor.u32 $0xD0000000, s2;
	s6 =	simm.s32 $0x108;
	_ =	swait.ge @!p0 [sflag:s8], $0x0  }
0x24: {  	s3 =	sadd.s32 $0x88, s3;
	s6 =	simm.s32 @!p1 $0x1082;
	[sflag:s4] =	ssyncset.s32 $0xFFFFF086  }
0x25: {  	[simem:s6], [sflag:s4] =	dma.local [hbm:s3], $0xF7A  }
0x26: {  	[smem:$0x3F9B] =	sst s1;
	(tag) =	ssettag s2;
	_ =	strace s9  }
0x27: {  	s1 =	sld [smem:$0x3FAB]  }
0x28: {  	s2 =	sld [smem:$0x3FAC]  }
0x29: {  	s4 =	sld [smem:$0x3FAE]  }
0x2a: {  	p0 =	seq.s32 s5, $0x0;
	s5 =	sld [smem:$0x3FAF]  }
0x2b: {  	s6 =	sld [smem:$0x3FB0]  }
0x2c: {  	s7 =	sld [smem:$0x3FB1]  }
0x2d: {  	s3 =	simm.s32 $0x108;
	s8 =	sld [smem:$0x3FB2]  }
0x2e: {  	s3 =	simm.s32 @!p0 $0x1082;
	s9 =	sld [smem:$0x3FB3]  }
0x2f: {  	lr =	sadd.s32 s0, s3;
	s0 =	sld [smem:$0x3FAA]  }
0x30: {  	s3 =	sld [smem:$0x3FAD]  }
0x31: {  	[smem:$0x3FB6] =	sst s10  }
0x32: {  	s10 =	sld [smem:$0x3FB4];
	_ =	sdelay $0x3  }
0x33: {  	p0 =	seq.s32 s10, $0x1;
	s10 =	sld [smem:$0x3FB6];
	_ =	sdelay $0x3  }
0x34: {  	[smem:$0x3FB6] =	sst s10  }
0x35: {  	s10 =	sld [smem:$0x3FB5];
	_ =	sdelay $0x3  }
0x36: {  	p1 =	seq.s32 s10, $0x1;
	s10 =	sld [smem:$0x3FB6];
	_ =	sdelay $0x3  }
0x37: {  	[smem:$0x3FB6] =	sst s10  }
0x38: {  	s10 =	sld [smem:$0x3FB7]  }
0x39: {  	_ = 	snop;
	(pc) =	sbr.ind lr, $3  }
0x3a: {  	_ = 	snop  }
0x3b: {  	_ = 	snop  }
0x3c: {  	p2 =	seq.s32 s10, $0x1;
	s10 =	sld [smem:$0x3FB6]  }
0x3d: {  	_ =	shalt  }
0x3e: {  	_ =	shalt  }
0x3f: {  	_ =	shalt  }
0x40: {  	_ =	shalt  }
0x41: {  	_ =	shalt  }
0x42: {  	_ =	shalt  }
0x43: {  	_ =	shalt  }
0x44: {  	_ =	shalt  }
0x45: {  	_ =	shalt  }
0x46: {  	_ =	shalt  }
0x47: {  	_ =	shalt  }
0x48: {  	_ =	shalt  }
0x49: {  	_ =	shalt  }
0x4a: {  	_ =	shalt  }
0x4b: {  	_ =	shalt  }
0x4c: {  	_ =	shalt  }
0x4d: {  	_ =	shalt  }
0x4e: {  	_ =	shalt  }
0x4f: {  	_ =	shalt  }
0x50: {  	_ =	shalt  }
0x51: {  	_ =	shalt  }
0x52: {  	_ =	shalt  }
0x53: {  	_ =	shalt  }
0x54: {  	_ =	shalt  }
0x55: {  	_ =	shalt  }
0x56: {  	_ =	shalt  }
0x57: {  	_ =	shalt  }
0x58: {  	_ =	shalt  }
0x59: {  	_ =	shalt  }
0x5a: {  	_ =	shalt  }
0x5b: {  	_ =	shalt  }
0x5c: {  	_ =	shalt  }
0x5d: {  	_ =	shalt  }
0x5e: {  	_ =	shalt  }
0x5f: {  	_ =	shalt  }
0x60: {  	_ =	shalt  }
0x61: {  	_ =	shalt  }
0x62: {  	_ =	shalt  }
0x63: {  	_ =	shalt  }
0x64: {  	_ =	shalt  }
0x65: {  	_ =	shalt  }
0x66: {  	_ =	shalt  }
0x67: {  	_ =	shalt  }
0x68: {  	_ =	shalt  }
0x69: {  	_ =	shalt  }
0x6a: {  	_ =	shalt  }
0x6b: {  	_ =	shalt  }
0x6c: {  	_ =	shalt  }
0x6d: {  	_ =	shalt  }
0x6e: {  	_ =	shalt  }
0x6f: {  	_ =	shalt  }
0x70: {  	_ =	shalt  }
0x71: {  	_ =	shalt  }
0x72: {  	_ =	shalt  }
0x73: {  	_ =	shalt  }
0x74: {  	_ =	shalt  }
0x75: {  	_ =	shalt  }
0x76: {  	_ =	shalt  }
0x77: {  	_ =	shalt  }
0x78: {  	_ =	shalt  }
0x79: {  	_ =	shalt  }
0x7a: {  	_ =	shalt  }
0x7b: {  	_ =	shalt  }
0x7c: {  	_ =	shalt  }
0x7d: {  	_ =	shalt  }
0x7e: {  	_ =	shalt  }
0x7f: {  	_ =	shalt  }
0x80: {  	_ =	shalt  }
0x81: {  	_ =	shalt  }
0x82: {  	_ =	shalt  }
0x83: {  	_ =	shalt  }
0x84: {  	_ =	shalt  }
0x85: {  	_ =	shalt  }
0x86: {  	_ =	shalt  }
0x87: {  	_ =	shalt  }
.Lfunc_end0:
.L_simem_size_0:
called_computation.1_lowered:
.L_overlay_start_0:
0x88: {  	s2 =	sld [smem:$0x3FD9]  }
0x89: {  	s3 =	sld [smem:$0x3FFE];
	_ =	sdelay $0x1  }
0x8a: {  	s1 =	srdreg.scid  }
0x8b: {  	s0 =	sand.u32 $0x1, s1  }
0x8c: {  	s17 =	sshll.u32 s0, $0xA;
	s2 =	sadd.s32 s3, s2  }
0x8d: {  	s2 =	sadd.s32 s2, s17  }
0x8e: {  	[smem:$0x3FC2] =	sst s2  }
0x8f: {  	_ = 	snop  }
0x90: {  	s2 =	sld [smem:$0x3FD0];
	(tm) =	ssettm $0x1  }
0x91: {  	s18 =	sld [smem:$0x3FFB];
	_ =	sdelay $0x3  }
0x92: {  	_ =	strace s18  }
0x93: {  	s3 =	sld [smem:$0x3FFC];
	_ =	sdelay $0x3  }
0x94: {  	_ =	strace s3  }
0x95: {  	s3 =	sld [smem:$0x3FFD];
	_ =	sdelay $0x3  }
0x96: {  	_ =	strace s3  }
0x97: {  	_ =	strace $0x8FFFFFFF  }
0x98: {  	s19 =	sld [smem:$0x3FDB];
	_ =	sdelay $0x1  }
0x99: {  	s4 =	simm.s32 $_scs_section_size  }
0x9a: {  	s5 =	simm.s32 $_size__tile_overlayer_lowered;
	s6 =	simm.s32 $_tile_overlayer_lowered  }
0x9b: {  	s22 =	simm.s32 $0x1BFF;
	s21 =	sshll.u32 s6, $0x1;
	s3 =	sadd.s32 s4, s19  }
0x9c: {  	s7 =	simm.s32 $0x0;
	s20 =	sshll.u32 s5, $0x1;
	s5 =	sadd.s32 s21, s3  }
0x9d: {  	[timem:s7], [sflag:s22] =	dma.local [hbm:s5], s20  }
0x9e: {  	_ =	swait.ge [sflag:s22], s20  }
0x9f: {  	s4 =	ssub.s32 $0x0, s20;
	[sflag:s22] =	ssyncset.done $0x0  }
0xa0: {  	[sflag:s22] =	ssyncadd.s32 s4;
	_ =	sdelay $0x1  }
0xa1: {  	s23 =	simm.s32 $0x1B8B  }
0xa2: {  	_ =	swait.ge [sflag:s23], $0x1  }
0xa3: {  	[sflag:s23] =	ssyncset.done $0x0  }
0xa4: {  	s25 =	simm.s32 $0x1B8E;
	s24 =	sld [smem:$0x3FFE];
	[sflag:s23] =	ssyncadd.s32 $0xFFFFFFFF  }
0xa5: {  	s26 =	simm.s32 $execute0_lowered;
	[smem:$0x3FD2] =	sst s25  }
0xa6: {  	s5 =	sshll.u32 s26, $0x1;
	_ =	strace $0x80000049;
	[dreg:$0x1] =	wrdreg $0xFFFFFFFF  }
0xa7: {  	s28 =	simm.s32 $_size_execute0_lowered;
	s3 =	sadd.s32 s3, s5;
	[dreg:$0x0] =	wrdreg $0x0  }
0xa8: {  	s5 =	sshll.u32 s28, $0x1;
	[dreg:$0x2] =	wrdreg s3  }
0xa9: {  	[dreg:$0x3] =	wrdreg s5  }
0xaa: {  	[dreg:$0x4] =	wrdreg $0xC0  }
0xab: {  	_ =	task [dreg:s7], $0x5FFFF  }
0xac: {  	[dreg:$0x1] =	wrdreg $0xFFFFFFFF  }
0xad: {  	[dreg:$0x0] =	wrdreg $0x60  }
0xae: {  	[dreg:$0x2] =	wrdreg s24  }
0xaf: {  	[dreg:$0x3] =	wrdreg s2  }
0xb0: {  	[dreg:$0x4] =	wrdreg $0xA8000  }
0xb1: {  	[dreg:$0x5] =	wrdreg $0x9  }
0xb2: {  	_ =	task.clear_ibuf [dreg:s7], $0x6FFFF;
	_ =	strace $0x90000049  }
0xb3: {  	s29 =	simm.s32 $0x9;
	_ =	strace $0x8000004B  }
0xb4: {  	_ =	swait.ge [sflag:s29], $0x1  }
0xb5: {  	[sflag:s29] =	ssyncadd.s32 $0xFFFFFFFF  }
0xb6: {  	_ =	strace $0x9000004B  }
0xb7: {  	_ =	sfence  }
0xb8: {  	s30 =	sld [smem:$0x0];
	_ =	sdelay $0x2  }
0xb9: {  	s31 =	sshll.u32 s1, $0xD;
	s1 =	sshrl.u32 s1, $0x2  }
0xba: {  	s3 =	sand.u32 $0x4000, s31;
	s1 =	sadd.s32 s1, s30  }
0xbb: {  	s0 =	sor.u32 s3, s0;
	s1 =	sshll.u32 s1, $0x11  }
0xbc: {  	s0 =	sor.u32 s1, s0  }
0xbd: {  	s0 =	sadd.s32 $0x8F2B, s0  }
0xbe: {  	[sflag:s0] =	ssyncadd.remote.s32 $0x1  }
0xbf: {  	_ =	sfence.sel $0xFFFF  }
0xc0: {  	[dreg:$0x0] =	wrdreg $0xFFFFFFFF;
	(pc) =	sbr.abs _section_cstart, $3  }
0xc1: {  	[dreg:$0x1] =	wrdreg $0xFFFFFFFF  }
0xc2: {  	_ =	task.clear_ibuf [dreg:s7], $0x2FFFF;
	_ =	strace $0x9FFFFFFF  }
0xc3: {  	(tm) =	ssettm $0x7FFFFFFF  }
tec
execute0_lowered:
.L_overlay_start_1:
0x0: {  	(tag) =	ssettag $0x1  }
0x1: {  	s6 =	rddreg [dreg:$0x0]  }
0x2: {  	s9 =	rddreg [dreg:$0x1]  }
0x3: {  	s1 =	rddreg [dreg:$0x2]  }
0x4: {  	s2 =	srdreg.scid;
	s3 =	simm.s32 $0x0;
	s16 =	simm.s32 $0x80  }
0x5: {  	s17 =	simm.s32 $0x2800;
	s18 =	simm.s32 $0x6800;
	s19 =	simm.s32 $0x1  }
0x6: {  	s20 =	simm.s32 $0x2;
	s21 =	simm.s32 $0x3;
	s22 =	simm.s32 $0x4  }
0x7: {  	s23 =	simm.s32 $0x1380;
	s7 =	sand.u32 $0x1, s2;
	s2 =	stileid.u32  }
0x8: {  	[smem:$0x7FF] =	sst s3;
	s4 =	sadd.s32 $0xF600, s6;
	s8 =	smul.u32 $0x140000, s7  }
0x9: {  	s11 =	sadd.s32 $0x2600, s6;
	s5 =	sadd.s32 $0xCE00, s6;
	s10 =	smul.u32 $0x14000, s2  }
0xa: {  	_ =	strace $0x8000004A;
	s24 =	ssub.s32 $0x2, s7;
	s12 =	sshll.u32 s2, $0x1  }
0xb: {  	s25 =	smul.u32 $0x50000, s2;
	s29 =	sshll.u32 s2, $0x6;
	s7 =	sor.u32 s7, s12  }
0xc: {  	s13 =	sshrl.u32 s24, $0x1;
	s8 =	sadd.s32 s10, s8;
	s26 =	smul.u32 $0x2800, s7  }
0xd: {  	s13 =	ssub.s32 s24, s13;
	s28 =	sshrl.u32 s25, $0x2;
	s30 =	smul.u32 $0x500, s7  }
0xe: {  	s24 =	simm.s32 $0x2700;
	s25 =	simm.s32 $0x2780;
	s8 =	sshrl.u32 s8, $0x3  }
0xf: {  	s15 =	sadd.s32 s28, s1;
	s12 =	smax.u32 s13, $0x1;
	s14 =	sadd.s32 s8, s6  }
0x10: {  	s6 =	sor.u32 $0x1C05, s29;
	s31 =	sshrl.u32 s26, $0x3;
	s7 =	sadd.s32 s9, s30  }
0x11: {  	s8 =	sadd.s32 s11, s30;
	s13 =	sshrl.u32 s15, $0x3;
	s10 =	sadd.s32 $0x280, s31  }
0x12: {  	s15 =	simm.s32 $0x1400;
	s26 =	simm.s32 $0x0;
	s9 =	sadd.s32 s9, s10  }
0x13: {  	s10 =	sadd.s32 s11, s10;
	s11 =	sadd.s32 $0x37600, s14;
	s14 =	simm.s32 $0x5  }
.LBB2_1:
0x14: {  	[spmem:s13], [sflag:s6] =	dma.local [hbm:s5], $0x2800  }
0x15: {  	_ =	swait.ge [sflag:s14], $0x2800  }
0x16: {  	[sflag:s14] =	ssyncset.done $0x0  }
0x17: {  	[sflag:s14] =	ssyncadd.s32 $0xFFFFD800  }
0x18: {  	[bflag:$0x0] =	sbarrier.arrive $0xFFFF  }
0x19: {  	[tilespmem:s3], [sflag:$0x5] =	stream.linear.gather [hbm4b:s7+s3], $0x1400, $0x38;
	[tilespmem:$0x1E800] =	vst v63  }
0x1a: {  	_ =	swait.ge [sflag:s14], $0x1400  }
0x1b: {  	[sflag:s14] =	ssyncset.done $0x0  }
0x1c: {  	[sflag:s14] =	ssyncadd.s32 $0xFFFFEC00  }
0x1d: {  	[tilespmem:s15], [sflag:$0x5] =	stream.linear.gather [hbm4b:s8+s3], $0x1400, $0x38;
	[tilespmem:$0x1E800] =	vst v63  }
0x1e: {  	_ =	swait.ge [sflag:s14], $0x1400  }
0x1f: {  	[sflag:s14] =	ssyncset.done $0x0  }
0x20: {  	[sflag:s14] =	ssyncadd.s32 $0xFFFFEC00  }
0x21: {  	[tilespmem:s17], [sflag:$0x1] =	stream.indirect.gather [hbm4b:s4+s16], $0x80, s3, s16, $0xb8;
	[tilespmem:$0x1E800] =	vst v63  }
0x22: {  	s28 =	simm.s32 $0x80  }
0x23: {  	[tilespmem:s18], [sflag:$0x2] =	stream.indirect.gather [hbm4b:s4+s16], $0x80, s28, s16, $0xb8;
	[tilespmem:$0x1E800] =	vst v63  }
0x24: {  	_ =	swait.ge [sflag:s19], $0x4000  }
0x25: {  	[sflag:s19] =	ssyncset.done $0x0  }
0x26: {  	s28 =	simm.s32 $0x1400;
	[sflag:s19] =	ssyncadd.s32 $0xFFFFC000  }
0x27: {  	[spmem:s1] =	stream.indirect.scatter.add.f32 [tilespmem:s17], [sflag:$0x3], $0x80, s28, s16, $0xb8;
	[tilespmem:$0x1E800] =	vst v63  }
0x28: {  	_ =	swait.ge [sflag:s20], $0x4000  }
0x29: {  	[sflag:s20] =	ssyncset.done $0x0  }
0x2a: {  	s28 =	simm.s32 $0x1480;
	[sflag:s20] =	ssyncadd.s32 $0xFFFFC000  }
0x2b: {  	[spmem:s1] =	stream.indirect.scatter.add.f32 [tilespmem:s18], [sflag:$0x4], $0x80, s28, s16, $0xb8;
	[tilespmem:$0x1E800] =	vst v63  }
0x2c: {  	_ =	swait.ge [sflag:s21], $0x4000  }
0x2d: {  	[sflag:s21] =	ssyncset.done $0x0  }
0x2e: {  	s28 =	simm.s32 $0x100;
	[sflag:s21] =	ssyncadd.s32 $0xFFFFC000  }
0x2f: {  	[tilespmem:s17], [sflag:$0x1] =	stream.indirect.gather [hbm4b:s4+s16], $0x80, s28, s16, $0xb8;
	[tilespmem:$0x1E800] =	vst v63  }
0x30: {  	_ =	swait.ge [sflag:s22], $0x4000  }
0x31: {  	s29 =	simm.s32 $0x800;
	s28 =	simm.s32 $0x100;
	[sflag:s22] =	ssyncset.done $0x0  }
.LBB2_2:
0x32: {  	s30 =	sadd.s32 $0x80, s28  }
0x33: {  	[sflag:s22] =	ssyncadd.s32 $0xFFFFC000;
	s31 =	smov.u32 s29;
	s0 =	sadd.s32 $0x400, s29  }
0x34: {  	[tilespmem:s18], [sflag:$0x2] =	stream.indirect.gather [hbm4b:s4+s16], $0x80, s30, s16, $0xb8;
	[tilespmem:$0x1E800] =	vst v63  }
0x35: {  	p0 =	sne.s32 s29, $0x4800;
	_ =	swait.ge [sflag:s19], $0x4000  }
0x36: {  	[sflag:s19] =	ssyncset.done $0x0  }
0x37: {  	s29 =	sadd.s32 $0x1400, s28;
	[sflag:s19] =	ssyncadd.s32 $0xFFFFC000  }
0x38: {  	[spmem:s1] =	stream.indirect.scatter.add.f32 [tilespmem:s17], [sflag:$0x3], $0x80, s29, s16, $0xb8;
	[tilespmem:$0x1E800] =	vst v63  }
0x39: {  	_ =	swait.ge [sflag:s20], $0x4000  }
0x3a: {  	[sflag:s20] =	ssyncset.done $0x0  }
0x3b: {  	s29 =	sadd.s32 $0x1480, s28;
	[sflag:s20] =	ssyncadd.s32 $0xFFFFC000  }
0x3c: {  	[spmem:s1] =	stream.indirect.scatter.add.f32 [tilespmem:s18], [sflag:$0x4], $0x80, s29, s16, $0xb8;
	[tilespmem:$0x1E800] =	vst v63  }
0x3d: {  	_ =	swait.ge [sflag:s21], $0x4000  }
.Ltmp0:
0x3e: {  	[sflag:s21] =	ssyncset.done $0x0;
	(pc) =	sbr.rel @p0 .LBB2_2-.Ltmp0, $4  }
0x3f: {  	s28 =	sadd.s32 $0x100, s28;
	[sflag:s21] =	ssyncadd.s32 $0xFFFFC000  }
0x40: {  	[tilespmem:s17], [sflag:$0x1] =	stream.indirect.gather [hbm4b:s4+s16], $0x80, s28, s16, $0xb8;
	[tilespmem:$0x1E800] =	vst v63  }
0x41: {  	_ =	swait.ge [sflag:s22], $0x4000  }
0x42: {  	s29 =	smov.u32 s0;
	s28 =	sshra.s32 s31, $0x2;
	[sflag:s22] =	ssyncset.done $0x0  }
0x43: {  	s0 =	sadd.s32 $0x80, s28;
	[sflag:s22] =	ssyncadd.s32 $0xFFFFC000  }
0x44: {  	[tilespmem:s18], [sflag:$0x2] =	stream.indirect.gather [hbm4b:s4+s16], $0x80, s0, s16, $0xb8;
	[tilespmem:$0x1E800] =	vst v63  }
0x45: {  	_ =	swait.ge [sflag:s19], $0x4000  }
0x46: {  	[sflag:s19] =	ssyncset.done $0x0  }
0x47: {  	s30 =	sadd.s32 $0x1400, s28;
	[sflag:s19] =	ssyncadd.s32 $0xFFFFC000  }
0x48: {  	[spmem:s1] =	stream.indirect.scatter.add.f32 [tilespmem:s17], [sflag:$0x3], $0x80, s30, s16, $0xb8;
	[tilespmem:$0x1E800] =	vst v63  }
0x49: {  	_ =	swait.ge [sflag:s20], $0x4000  }
0x4a: {  	[sflag:s20] =	ssyncset.done $0x0  }
0x4b: {  	s31 =	sadd.s32 $0x1480, s28;
	[sflag:s20] =	ssyncadd.s32 $0xFFFFC000  }
0x4c: {  	[spmem:s1] =	stream.indirect.scatter.add.f32 [tilespmem:s18], [sflag:$0x4], $0x80, s31, s16, $0xb8;
	[tilespmem:$0x1E800] =	vst v63  }
0x4d: {  	_ =	swait.ge [sflag:s21], $0x4000  }
0x4e: {  	[sflag:s21] =	ssyncset.done $0x0  }
0x4f: {  	s30 =	sadd.s32 $0x100, s28;
	[sflag:s21] =	ssyncadd.s32 $0xFFFFC000  }
0x50: {  	[tilespmem:s17], [sflag:$0x1] =	stream.indirect.gather [hbm4b:s4+s16], $0x80, s30, s16, $0xb8;
	[tilespmem:$0x1E800] =	vst v63  }
0x51: {  	_ =	swait.ge [sflag:s22], $0x4000  }
0x52: {  	[sflag:s22] =	ssyncset.done $0x0  }
0x53: {  	[sflag:s22] =	ssyncadd.s32 $0xFFFFC000  }
0x54: {  	[tilespmem:s18], [sflag:$0x2] =	stream.indirect.gather [hbm4b:s4+s16], $0x80, s23, s16, $0xb8;
	[tilespmem:$0x1E800] =	vst v63  }
0x55: {  	_ =	swait.ge [sflag:s19], $0x4000  }
0x56: {  	[sflag:s19] =	ssyncset.done $0x0  }
0x57: {  	[sflag:s19] =	ssyncadd.s32 $0xFFFFC000  }
0x58: {  	[spmem:s1] =	stream.indirect.scatter.add.f32 [tilespmem:s17], [sflag:$0x3], $0x80, s24, s16, $0xb8;
	[tilespmem:$0x1E800] =	vst v63  }
0x59: {  	_ =	swait.ge [sflag:s20], $0x4000  }
0x5a: {  	[sflag:s20] =	ssyncset.done $0x0  }
0x5b: {  	[sflag:s20] =	ssyncadd.s32 $0xFFFFC000  }
0x5c: {  	[spmem:s1] =	stream.indirect.scatter.add.f32 [tilespmem:s18], [sflag:$0x4], $0x80, s25, s16, $0xb8;
	[tilespmem:$0x1E800] =	vst v63  }
0x5d: {  	_ =	swait.ge [sflag:s21], $0x4000  }
0x5e: {  	[sflag:s21] =	ssyncset.done $0x0  }
0x5f: {  	[sflag:s21] =	ssyncadd.s32 $0xFFFFC000  }
0x60: {  	_ =	swait.ge [sflag:s22], $0x4000  }
0x61: {  	[sflag:s22] =	ssyncset.done $0x0  }
0x62: {  	s31 =	simm.s32 $0x0;
	[sflag:s22] =	ssyncadd.s32 $0xFFFFC000  }
0x63: {  	[tilespmem:s31], [sflag:$0x5] =	stream.linear.gather [hbm4b:s9+s31], $0x1400, $0x38;
	[tilespmem:$0x1E800] =	vst v63  }
0x64: {  	_ =	swait.ge [sflag:s14], $0x1400  }
0x65: {  	[sflag:s14] =	ssyncset.done $0x0  }
0x66: {  	[sflag:s14] =	ssyncadd.s32 $0xFFFFEC00  }
0x67: {  	[tilespmem:s15], [sflag:$0x5] =	stream.linear.gather [hbm4b:s10+s31], $0x1400, $0x38;
	[tilespmem:$0x1E800] =	vst v63  }
0x68: {  	_ =	swait.ge [sflag:s14], $0x1400  }
0x69: {  	[sflag:s14] =	ssyncset.done $0x0  }
0x6a: {  	[sflag:s14] =	ssyncadd.s32 $0xFFFFEC00  }
0x6b: {  	[tilespmem:s17], [sflag:$0x1] =	stream.indirect.gather [hbm4b:s4+s16], $0x80, s31, s16, $0xb8;
	[tilespmem:$0x1E800] =	vst v63  }
0x6c: {  	s30 =	simm.s32 $0x80  }
0x6d: {  	[tilespmem:s18], [sflag:$0x2] =	stream.indirect.gather [hbm4b:s4+s16], $0x80, s30, s16, $0xb8;
	[tilespmem:$0x1E800] =	vst v63  }
0x6e: {  	_ =	swait.ge [sflag:s19], $0x4000  }
0x6f: {  	[sflag:s19] =	ssyncset.done $0x0  }
0x70: {  	s31 =	simm.s32 $0x1400;
	[sflag:s19] =	ssyncadd.s32 $0xFFFFC000  }
0x71: {  	[spmem:s1] =	stream.indirect.scatter.add.f32 [tilespmem:s17], [sflag:$0x3], $0x80, s31, s16, $0xb8;
	[tilespmem:$0x1E800] =	vst v63  }
0x72: {  	_ =	swait.ge [sflag:s20], $0x4000  }
0x73: {  	[sflag:s20] =	ssyncset.done $0x0  }
0x74: {  	s30 =	simm.s32 $0x1480;
	[sflag:s20] =	ssyncadd.s32 $0xFFFFC000  }
0x75: {  	[spmem:s1] =	stream.indirect.scatter.add.f32 [tilespmem:s18], [sflag:$0x4], $0x80, s30, s16, $0xb8;
	[tilespmem:$0x1E800] =	vst v63  }
0x76: {  	_ =	swait.ge [sflag:s21], $0x4000  }
0x77: {  	[sflag:s21] =	ssyncset.done $0x0  }
0x78: {  	s31 =	simm.s32 $0x100;
	[sflag:s21] =	ssyncadd.s32 $0xFFFFC000  }
0x79: {  	[tilespmem:s17], [sflag:$0x1] =	stream.indirect.gather [hbm4b:s4+s16], $0x80, s31, s16, $0xb8;
	[tilespmem:$0x1E800] =	vst v63  }
0x7a: {  	_ =	swait.ge [sflag:s22], $0x4000  }
0x7b: {  	s29 =	simm.s32 $0x800;
	s28 =	simm.s32 $0x100;
	[sflag:s22] =	ssyncset.done $0x0  }
.LBB2_4:
0x7c: {  	s0 =	sadd.s32 $0x80, s28  }
0x7d: {  	[sflag:s22] =	ssyncadd.s32 $0xFFFFC000;
	s30 =	smov.u32 s29;
	s31 =	sadd.s32 $0x400, s29  }
0x7e: {  	[tilespmem:s18], [sflag:$0x2] =	stream.indirect.gather [hbm4b:s4+s16], $0x80, s0, s16, $0xb8;
	[tilespmem:$0x1E800] =	vst v63  }
0x7f: {  	p0 =	sne.s32 s29, $0x4800;
	_ =	swait.ge [sflag:s19], $0x4000  }
0x80: {  	[sflag:s19] =	ssyncset.done $0x0  }
0x81: {  	s0 =	sadd.s32 $0x1400, s28;
	[sflag:s19] =	ssyncadd.s32 $0xFFFFC000  }
0x82: {  	[spmem:s1] =	stream.indirect.scatter.add.f32 [tilespmem:s17], [sflag:$0x3], $0x80, s0, s16, $0xb8;
	[tilespmem:$0x1E800] =	vst v63  }
0x83: {  	_ =	swait.ge [sflag:s20], $0x4000  }
0x84: {  	[sflag:s20] =	ssyncset.done $0x0  }
0x85: {  	s0 =	sadd.s32 $0x1480, s28;
	[sflag:s20] =	ssyncadd.s32 $0xFFFFC000  }
0x86: {  	[spmem:s1] =	stream.indirect.scatter.add.f32 [tilespmem:s18], [sflag:$0x4], $0x80, s0, s16, $0xb8;
	[tilespmem:$0x1E800] =	vst v63  }
0x87: {  	_ =	swait.ge [sflag:s21], $0x4000  }
.Ltmp1:
0x88: {  	[sflag:s21] =	ssyncset.done $0x0;
	(pc) =	sbr.rel @p0 .LBB2_4-.Ltmp1, $4  }
0x89: {  	s0 =	sadd.s32 $0x100, s28;
	[sflag:s21] =	ssyncadd.s32 $0xFFFFC000  }
0x8a: {  	[tilespmem:s17], [sflag:$0x1] =	stream.indirect.gather [hbm4b:s4+s16], $0x80, s0, s16, $0xb8;
	[tilespmem:$0x1E800] =	vst v63  }
0x8b: {  	_ =	swait.ge [sflag:s22], $0x4000  }
0x8c: {  	s29 =	smov.u32 s31;
	s28 =	sshra.s32 s30, $0x2;
	[sflag:s22] =	ssyncset.done $0x0  }
0x8d: {  	s0 =	sadd.s32 $0x80, s28;
	[sflag:s22] =	ssyncadd.s32 $0xFFFFC000  }
0x8e: {  	[tilespmem:s18], [sflag:$0x2] =	stream.indirect.gather [hbm4b:s4+s16], $0x80, s0, s16, $0xb8;
	[tilespmem:$0x1E800] =	vst v63  }
0x8f: {  	_ =	swait.ge [sflag:s19], $0x4000  }
0x90: {  	[sflag:s19] =	ssyncset.done $0x0  }
0x91: {  	s29 =	sadd.s32 $0x1400, s28;
	[sflag:s19] =	ssyncadd.s32 $0xFFFFC000  }
0x92: {  	[spmem:s1] =	stream.indirect.scatter.add.f32 [tilespmem:s17], [sflag:$0x3], $0x80, s29, s16, $0xb8;
	[tilespmem:$0x1E800] =	vst v63  }
0x93: {  	_ =	swait.ge [sflag:s20], $0x4000  }
0x94: {  	[sflag:s20] =	ssyncset.done $0x0  }
0x95: {  	s30 =	sadd.s32 $0x1480, s28;
	[sflag:s20] =	ssyncadd.s32 $0xFFFFC000  }
0x96: {  	[spmem:s1] =	stream.indirect.scatter.add.f32 [tilespmem:s18], [sflag:$0x4], $0x80, s30, s16, $0xb8;
	[tilespmem:$0x1E800] =	vst v63  }
0x97: {  	_ =	swait.ge [sflag:s21], $0x4000  }
0x98: {  	[sflag:s21] =	ssyncset.done $0x0  }
0x99: {  	s31 =	sadd.s32 $0x100, s28;
	[sflag:s21] =	ssyncadd.s32 $0xFFFFC000  }
0x9a: {  	[tilespmem:s17], [sflag:$0x1] =	stream.indirect.gather [hbm4b:s4+s16], $0x80, s31, s16, $0xb8;
	[tilespmem:$0x1E800] =	vst v63  }
0x9b: {  	_ =	swait.ge [sflag:s22], $0x4000  }
0x9c: {  	[sflag:s22] =	ssyncset.done $0x0  }
0x9d: {  	[sflag:s22] =	ssyncadd.s32 $0xFFFFC000  }
0x9e: {  	[tilespmem:s18], [sflag:$0x2] =	stream.indirect.gather [hbm4b:s4+s16], $0x80, s23, s16, $0xb8;
	[tilespmem:$0x1E800] =	vst v63  }
0x9f: {  	_ =	swait.ge [sflag:s19], $0x4000  }
0xa0: {  	[sflag:s19] =	ssyncset.done $0x0  }
0xa1: {  	[sflag:s19] =	ssyncadd.s32 $0xFFFFC000  }
0xa2: {  	[spmem:s1] =	stream.indirect.scatter.add.f32 [tilespmem:s17], [sflag:$0x3], $0x80, s24, s16, $0xb8;
	[tilespmem:$0x1E800] =	vst v63  }
0xa3: {  	_ =	swait.ge [sflag:s20], $0x4000  }
0xa4: {  	[sflag:s20] =	ssyncset.done $0x0  }
0xa5: {  	[sflag:s20] =	ssyncadd.s32 $0xFFFFC000  }
0xa6: {  	[spmem:s1] =	stream.indirect.scatter.add.f32 [tilespmem:s18], [sflag:$0x4], $0x80, s25, s16, $0xb8;
	[tilespmem:$0x1E800] =	vst v63  }
0xa7: {  	_ =	swait.ge [sflag:s21], $0x4000  }
0xa8: {  	[sflag:s21] =	ssyncset.done $0x0  }
0xa9: {  	[sflag:s21] =	ssyncadd.s32 $0xFFFFC000  }
0xaa: {  	_ =	swait.ge [sflag:s22], $0x4000  }
0xab: {  	s26 =	sadd.s32 $0x1, s26;
	[sflag:s22] =	ssyncset.done $0x0  }
0xac: {  	p0 =	sne.s32 s26, s12;
	[sflag:s22] =	ssyncadd.s32 $0xFFFFC000  }
.Ltmp2:
0xad: {  	[bflag:$0x0] =	sbarrier.arrive $0xFFFF;
	(pc) =	sbr.rel @p0 .LBB2_1-.Ltmp2, $4  }
0xae: {  	[hbm:s11], [sflag:s6] =	dma.local [spmem:s13], $0x2800  }
0xaf: {  	_ =	swait.ge [sflag:s14], $0x2800  }
0xb0: {  	[sflag:s14] =	ssyncset.done $0x0  }
0xb1: {  	[sflag:s14] =	ssyncadd.s32 $0xFFFFD800  }
0xb2: {  	_ =	sfence.sel $0x180000  }
0xb3: {  	[bflag:$0x0] =	sbarrier.arrive $0xFFFF  }
0xb4: {  	_ =	strace $0x9000004A  }
0xb5: {  	[bflag:$0x2] =	sbarrier.arrive $0xFFFF  }
0xb6: {  	p0 =	sne.s32 s2, $0x0;
	s0 =	rddreg [dreg:$0x3]  }
0xb7: {  	s0 =	sadd.s32 @!p0 $0x100000, s0  }
0xb8: {  	[sflag:s0] =	ssyncadd.tile.s32 @!p0 $0x1;
	_ =	shalt  }
.Lfunc_end2:
_tile_overlayer_lowered:
.L_overlay_start_2:
0xb9: {  	(tag) =	ssettag $0x2  }
0xba: {  	s0 =	rddreg [dreg:$0x0];
	s2 =	stileid.u32  }
0xbb: {  	s1 =	rddreg [dreg:$0x1];
	p0 =	sne.s32 s2, $0x0  }
0xbc: {  	s3 =	rddreg [dreg:$0x2];
	[bflag:$0x3] =	sbarrier.arrive $0xFFFF;
	s2 =	simm.s32 @!p0 $0x1C05  }
0xbd: {  	[timem:s3], [sflag:s2] =	dma.local @!p0 [hbm:s0], s1  }
0xbe: {  	s0 =	simm.s32 @!p0 $0x5  }
0xbf: {  	_ =	swait.ge @!p0 [sflag:s0], s1  }
0xc0: {  	s1 =	ssub.s32 @!p0 $0x0, s1;
	[sflag:s0] =	ssyncset.done @!p0 $0x0  }
0xc1: {  	[sflag:s0] =	ssyncadd.s32 @!p0 s1  }
0xc2: {  	[bflag:$0x3] =	sbarrier.arrive $0xFFFF  }
0xc3: {  	_ =	shalt  }

// kernel: kernel.14.cloned.1.call-start
scs
__scs_entry_jumppad:
0x0: {  	(pc) =	sbr.rel $0x88, $3  }
0x1: {  	(tag) =	ssettag $0x0;
	lr =	simm.s32 $0x1  }
0x2: {  	[smem:$0x3F9B] =	sst lr;
	_ =	strace $0xD0000000  }
0x3: {  	_ = 	snop  }
0x4: {  	_ = 	snop  }
0x5: {  	_ = 	snop  }
0x6: {  	_ = 	snop  }
0x7: {  	_ = 	snop  }
__scs_overlays_trampoline_lowered:
0x8: {  	[smem:$0x3FAA] =	sst s0  }
0x9: {  	[smem:$0x3FAB] =	sst s1  }
0xa: {  	[smem:$0x3FAC] =	sst s2  }
0xb: {  	[smem:$0x3FAD] =	sst s3  }
0xc: {  	[smem:$0x3FAE] =	sst s4  }
0xd: {  	[smem:$0x3FAF] =	sst s5  }
0xe: {  	[smem:$0x3FB0] =	sst s6  }
0xf: {  	[smem:$0x3FB1] =	sst s7  }
0x10: {  	[smem:$0x3FB2] =	sst s8  }
0x11: {  	[smem:$0x3FB3] =	sst s9;
	s0 =	simm.s32 @!p0 $0x0  }
0x12: {  	s1 =	sld [smem:$0x3F99];
	s0 =	simm.s32 @p0 $0x1  }
0x13: {  	[smem:$0x3FB4] =	sst s0;
	s0 =	simm.s32 @!p1 $0x0  }
0x14: {  	s2 =	sld [smem:$0x3F98];
	s0 =	simm.s32 @p1 $0x1  }
0x15: {  	[smem:$0x3FB5] =	sst s0;
	s0 =	simm.s32 @!p2 $0x0  }
0x16: {  	s3 =	sld [smem:$0x3FDB];
	s0 =	simm.s32 @p2 $0x1  }
0x17: {  	s4 =	simm.s32 $0x1BF5;
	[smem:$0x3FB7] =	sst s0  }
0x18: {  	s0 =	sld [smem:$0x3F9A];
	_ =	swait.ge [sflag:s4], $0x0  }
0x19: {  	s7 =	sld [smem:$0x3F9B]  }
0x1a: {  	s8 =	sadd.s32 $0xFFFFE003, lr  }
0x1b: {  	s9 =	sadd.s32 $0xFFFFFEF7, lr;
	s5 =	simm.s32 $0xFFFFFFFF;
	p2 =	slt.u32 s8, $0xFFFFF086  }
0x1c: {  	p1 =	slt.u32 s9, $0xF7A;
	s5 =	simm.s32 @!p2 $0x0  }
0x1d: {  	s5 =	simm.s32 @p1 $0x1;
	p0 =	seq.s32 s7, s2  }
0x1e: {  	s7 =	smul.u32 @!p0 $0xF7A, s2;
	p2 =	seq.s32 @!p0 s5, $0x0  }
0x1f: {  	s9 =	smul.u32 $0xF7A, s1;
	s8 =	simm.s32 @!p0 $0x1BF5;
	p2 =	por !p2, p0  }
0x20: {  	[sflag:s8] =	ssyncset.s32 @!p0 $0xFFFFF086;
	s6 =	sadd.s32 @!p0 s3, s7;
	s7 =	simm.s32 @!p0 $0x108  }
0x21: {  	s3 =	sadd.s32 s3, s9;
	s6 =	sadd.s32 @!p0 $0x88, s6;
	s7 =	simm.s32 @p2 $0x1082  }
0x22: {  	[simem:s7], [sflag:s8] =	dma.local @!p0 [hbm:s6], $0xF7A  }
0x23: {  	s9 =	sor.u32 $0xD0000000, s2;
	s6 =	simm.s32 $0x108;
	_ =	swait.ge @!p0 [sflag:s8], $0x0  }
0x24: {  	s3 =	sadd.s32 $0x88, s3;
	s6 =	simm.s32 @!p1 $0x1082;
	[sflag:s4] =	ssyncset.s32 $0xFFFFF086  }
0x25: {  	[simem:s6], [sflag:s4] =	dma.local [hbm:s3], $0xF7A  }
0x26: {  	[smem:$0x3F9B] =	sst s1;
	(tag) =	ssettag s2;
	_ =	strace s9  }
0x27: {  	s1 =	sld [smem:$0x3FAB]  }
0x28: {  	s2 =	sld [smem:$0x3FAC]  }
0x29: {  	s4 =	sld [smem:$0x3FAE]  }
0x2a: {  	p0 =	seq.s32 s5, $0x0;
	s5 =	sld [smem:$0x3FAF]  }
0x2b: {  	s6 =	sld [smem:$0x3FB0]  }
0x2c: {  	s7 =	sld [smem:$0x3FB1]  }
0x2d: {  	s3 =	simm.s32 $0x108;
	s8 =	sld [smem:$0x3FB2]  }
0x2e: {  	s3 =	simm.s32 @!p0 $0x1082;
	s9 =	sld [smem:$0x3FB3]  }
0x2f: {  	lr =	sadd.s32 s0, s3;
	s0 =	sld [smem:$0x3FAA]  }
0x30: {  	s3 =	sld [smem:$0x3FAD]  }
0x31: {  	[smem:$0x3FB6] =	sst s10  }
0x32: {  	s10 =	sld [smem:$0x3FB4];
	_ =	sdelay $0x3  }
0x33: {  	p0 =	seq.s32 s10, $0x1;
	s10 =	sld [smem:$0x3FB6];
	_ =	sdelay $0x3  }
0x34: {  	[smem:$0x3FB6] =	sst s10  }
0x35: {  	s10 =	sld [smem:$0x3FB5];
	_ =	sdelay $0x3  }
0x36: {  	p1 =	seq.s32 s10, $0x1;
	s10 =	sld [smem:$0x3FB6];
	_ =	sdelay $0x3  }
0x37: {  	[smem:$0x3FB6] =	sst s10  }
0x38: {  	s10 =	sld [smem:$0x3FB7]  }
0x39: {  	_ = 	snop;
	(pc) =	sbr.ind lr, $3  }
0x3a: {  	_ = 	snop  }
0x3b: {  	_ = 	snop  }
0x3c: {  	p2 =	seq.s32 s10, $0x1;
	s10 =	sld [smem:$0x3FB6]  }
0x3d: {  	_ =	shalt  }
0x3e: {  	_ =	shalt  }
0x3f: {  	_ =	shalt  }
0x40: {  	_ =	shalt  }
0x41: {  	_ =	shalt  }
0x42: {  	_ =	shalt  }
0x43: {  	_ =	shalt  }
0x44: {  	_ =	shalt  }
0x45: {  	_ =	shalt  }
0x46: {  	_ =	shalt  }
0x47: {  	_ =	shalt  }
0x48: {  	_ =	shalt  }
0x49: {  	_ =	shalt  }
0x4a: {  	_ =	shalt  }
0x4b: {  	_ =	shalt  }
0x4c: {  	_ =	shalt  }
0x4d: {  	_ =	shalt  }
0x4e: {  	_ =	shalt  }
0x4f: {  	_ =	shalt  }
0x50: {  	_ =	shalt  }
0x51: {  	_ =	shalt  }
0x52: {  	_ =	shalt  }
0x53: {  	_ =	shalt  }
0x54: {  	_ =	shalt  }
0x55: {  	_ =	shalt  }
0x56: {  	_ =	shalt  }
0x57: {  	_ =	shalt  }
0x58: {  	_ =	shalt  }
0x59: {  	_ =	shalt  }
0x5a: {  	_ =	shalt  }
0x5b: {  	_ =	shalt  }
0x5c: {  	_ =	shalt  }
0x5d: {  	_ =	shalt  }
0x5e: {  	_ =	shalt  }
0x5f: {  	_ =	shalt  }
0x60: {  	_ =	shalt  }
0x61: {  	_ =	shalt  }
0x62: {  	_ =	shalt  }
0x63: {  	_ =	shalt  }
0x64: {  	_ =	shalt  }
0x65: {  	_ =	shalt  }
0x66: {  	_ =	shalt  }
0x67: {  	_ =	shalt  }
0x68: {  	_ =	shalt  }
0x69: {  	_ =	shalt  }
0x6a: {  	_ =	shalt  }
0x6b: {  	_ =	shalt  }
0x6c: {  	_ =	shalt  }
0x6d: {  	_ =	shalt  }
0x6e: {  	_ =	shalt  }
0x6f: {  	_ =	shalt  }
0x70: {  	_ =	shalt  }
0x71: {  	_ =	shalt  }
0x72: {  	_ =	shalt  }
0x73: {  	_ =	shalt  }
0x74: {  	_ =	shalt  }
0x75: {  	_ =	shalt  }
0x76: {  	_ =	shalt  }
0x77: {  	_ =	shalt  }
0x78: {  	_ =	shalt  }
0x79: {  	_ =	shalt  }
0x7a: {  	_ =	shalt  }
0x7b: {  	_ =	shalt  }
0x7c: {  	_ =	shalt  }
0x7d: {  	_ =	shalt  }
0x7e: {  	_ =	shalt  }
0x7f: {  	_ =	shalt  }
0x80: {  	_ =	shalt  }
0x81: {  	_ =	shalt  }
0x82: {  	_ =	shalt  }
0x83: {  	_ =	shalt  }
0x84: {  	_ =	shalt  }
0x85: {  	_ =	shalt  }
0x86: {  	_ =	shalt  }
0x87: {  	_ =	shalt  }
.Lfunc_end0:
.L_simem_size_0:
called_computation.2_lowered:
.L_overlay_start_0:
0x88: {  	s2 =	sld [smem:$0x3FD9]  }
0x89: {  	s3 =	sld [smem:$0x3FFE];
	_ =	sdelay $0x1  }
0x8a: {  	s1 =	srdreg.scid  }
0x8b: {  	s0 =	sand.u32 $0x1, s1  }
0x8c: {  	s17 =	sshll.u32 s0, $0xA;
	s2 =	sadd.s32 s3, s2  }
0x8d: {  	s2 =	sadd.s32 s2, s17  }
0x8e: {  	[smem:$0x3FC2] =	sst s2  }
0x8f: {  	_ = 	snop  }
0x90: {  	s2 =	sld [smem:$0x3FD0];
	(tm) =	ssettm $0x1  }
0x91: {  	s18 =	sld [smem:$0x3FFB];
	_ =	sdelay $0x3  }
0x92: {  	_ =	strace s18  }
0x93: {  	s3 =	sld [smem:$0x3FFC];
	_ =	sdelay $0x3  }
0x94: {  	_ =	strace s3  }
0x95: {  	s3 =	sld [smem:$0x3FFD];
	_ =	sdelay $0x3  }
0x96: {  	_ =	strace s3  }
0x97: {  	_ =	strace $0x8FFFFFFF  }
0x98: {  	s19 =	sld [smem:$0x3FDB];
	_ =	sdelay $0x1  }
0x99: {  	s4 =	simm.s32 $_scs_section_size  }
0x9a: {  	s5 =	simm.s32 $_size__tile_overlayer_lowered;
	s6 =	simm.s32 $_tile_overlayer_lowered  }
0x9b: {  	s22 =	simm.s32 $0x1BFF;
	s21 =	sshll.u32 s6, $0x1;
	s3 =	sadd.s32 s4, s19  }
0x9c: {  	s7 =	simm.s32 $0x0;
	s20 =	sshll.u32 s5, $0x1;
	s5 =	sadd.s32 s21, s3  }
0x9d: {  	[timem:s7], [sflag:s22] =	dma.local [hbm:s5], s20  }
0x9e: {  	_ =	swait.ge [sflag:s22], s20  }
0x9f: {  	s4 =	ssub.s32 $0x0, s20;
	[sflag:s22] =	ssyncset.done $0x0  }
0xa0: {  	[sflag:s22] =	ssyncadd.s32 s4;
	_ =	sdelay $0x1  }
0xa1: {  	s23 =	simm.s32 $0x1B8B  }
0xa2: {  	_ =	swait.ge [sflag:s23], $0x1  }
0xa3: {  	[sflag:s23] =	ssyncset.done $0x0  }
0xa4: {  	s25 =	simm.s32 $0x1B8E;
	s24 =	sld [smem:$0x3FFE];
	[sflag:s23] =	ssyncadd.s32 $0xFFFFFFFF  }
0xa5: {  	s26 =	simm.s32 $execute0_lowered;
	[smem:$0x3FD2] =	sst s25  }
0xa6: {  	s5 =	sshll.u32 s26, $0x1;
	_ =	strace $0x8000004C;
	[dreg:$0x1] =	wrdreg $0xFFFFFFFF  }
0xa7: {  	s28 =	simm.s32 $_size_execute0_lowered;
	s3 =	sadd.s32 s3, s5;
	[dreg:$0x0] =	wrdreg $0x0  }
0xa8: {  	s5 =	sshll.u32 s28, $0x1;
	[dreg:$0x2] =	wrdreg s3  }
0xa9: {  	[dreg:$0x3] =	wrdreg s5  }
0xaa: {  	[dreg:$0x4] =	wrdreg $0xC0  }
0xab: {  	_ =	task [dreg:s7], $0x5FFFF  }
0xac: {  	[dreg:$0x1] =	wrdreg $0xFFFFFFFF  }
0xad: {  	[dreg:$0x0] =	wrdreg $0x60  }
0xae: {  	[dreg:$0x2] =	wrdreg s24  }
0xaf: {  	[dreg:$0x3] =	wrdreg s2  }
0xb0: {  	[dreg:$0x4] =	wrdreg $0xA8000  }
0xb1: {  	[dreg:$0x5] =	wrdreg $0x9  }
0xb2: {  	_ =	task.clear_ibuf [dreg:s7], $0x6FFFF;
	_ =	strace $0x9000004C  }
0xb3: {  	s29 =	simm.s32 $0x9;
	_ =	strace $0x8000004E  }
0xb4: {  	_ =	swait.ge [sflag:s29], $0x1  }
0xb5: {  	[sflag:s29] =	ssyncadd.s32 $0xFFFFFFFF  }
0xb6: {  	_ =	strace $0x9000004E  }
0xb7: {  	_ =	sfence  }
0xb8: {  	s30 =	sld [smem:$0x0];
	_ =	sdelay $0x2  }
0xb9: {  	s31 =	sshll.u32 s1, $0xD;
	s1 =	sshrl.u32 s1, $0x2  }
0xba: {  	s3 =	sand.u32 $0x4000, s31;
	s1 =	sadd.s32 s1, s30  }
0xbb: {  	s0 =	sor.u32 s3, s0;
	s1 =	sshll.u32 s1, $0x11  }
0xbc: {  	s0 =	sor.u32 s1, s0  }
0xbd: {  	s0 =	sadd.s32 $0x8F2B, s0  }
0xbe: {  	[sflag:s0] =	ssyncadd.remote.s32 $0x1  }
0xbf: {  	_ =	sfence.sel $0xFFFF  }
0xc0: {  	[dreg:$0x0] =	wrdreg $0xFFFFFFFF;
	(pc) =	sbr.abs _section_cstart, $3  }
0xc1: {  	[dreg:$0x1] =	wrdreg $0xFFFFFFFF  }
0xc2: {  	_ =	task.clear_ibuf [dreg:s7], $0x2FFFF;
	_ =	strace $0x9FFFFFFF  }
0xc3: {  	(tm) =	ssettm $0x7FFFFFFF  }
tec
execute0_lowered:
.L_overlay_start_1:
0x0: {  	(tag) =	ssettag $0x1  }
0x1: {  	s6 =	rddreg [dreg:$0x0]  }
0x2: {  	s9 =	rddreg [dreg:$0x1]  }
0x3: {  	s1 =	rddreg [dreg:$0x2]  }
0x4: {  	s2 =	srdreg.scid;
	s3 =	simm.s32 $0x0;
	s16 =	simm.s32 $0x80  }
0x5: {  	s17 =	simm.s32 $0x2800;
	s18 =	simm.s32 $0x6800;
	s19 =	simm.s32 $0x1  }
0x6: {  	s20 =	simm.s32 $0x2;
	s21 =	simm.s32 $0x3;
	s22 =	simm.s32 $0x4  }
0x7: {  	s23 =	simm.s32 $0x1380;
	s7 =	sand.u32 $0x1, s2;
	s2 =	stileid.u32  }
0x8: {  	[smem:$0x7FF] =	sst s3;
	s4 =	sadd.s32 $0xF600, s6;
	s8 =	smul.u32 $0x140000, s7  }
0x9: {  	s11 =	sadd.s32 $0x2600, s6;
	s5 =	sadd.s32 $0xCE00, s6;
	s10 =	smul.u32 $0x14000, s2  }
0xa: {  	_ =	strace $0x8000004D;
	s24 =	ssub.s32 $0x2, s7;
	s12 =	sshll.u32 s2, $0x1  }
0xb: {  	s25 =	smul.u32 $0x50000, s2;
	s29 =	sshll.u32 s2, $0x6;
	s7 =	sor.u32 s7, s12  }
0xc: {  	s13 =	sshrl.u32 s24, $0x1;
	s8 =	sadd.s32 s10, s8;
	s26 =	smul.u32 $0x2800, s7  }
0xd: {  	s13 =	ssub.s32 s24, s13;
	s28 =	sshrl.u32 s25, $0x2;
	s30 =	smul.u32 $0x500, s7  }
0xe: {  	s24 =	simm.s32 $0x2700;
	s25 =	simm.s32 $0x2780;
	s8 =	sshrl.u32 s8, $0x3  }
0xf: {  	s15 =	sadd.s32 s28, s1;
	s12 =	smax.u32 s13, $0x1;
	s14 =	sadd.s32 s8, s6  }
0x10: {  	s6 =	sor.u32 $0x1C05, s29;
	s31 =	sshrl.u32 s26, $0x3;
	s7 =	sadd.s32 s9, s30  }
0x11: {  	s8 =	sadd.s32 s11, s30;
	s13 =	sshrl.u32 s15, $0x3;
	s10 =	sadd.s32 $0x280, s31  }
0x12: {  	s15 =	simm.s32 $0x1400;
	s26 =	simm.s32 $0x0;
	s9 =	sadd.s32 s9, s10  }
0x13: {  	s10 =	sadd.s32 s11, s10;
	s11 =	sadd.s32 $0x37600, s14;
	s14 =	simm.s32 $0x5  }
.LBB2_1:
0x14: {  	[spmem:s13], [sflag:s6] =	dma.local [hbm:s5], $0x2800  }
0x15: {  	_ =	swait.ge [sflag:s14], $0x2800  }
0x16: {  	[sflag:s14] =	ssyncset.done $0x0  }
0x17: {  	[sflag:s14] =	ssyncadd.s32 $0xFFFFD800  }
0x18: {  	[bflag:$0x0] =	sbarrier.arrive $0xFFFF  }
0x19: {  	[tilespmem:s3], [sflag:$0x5] =	stream.linear.gather [hbm4b:s7+s3], $0x1400, $0x38;
	[tilespmem:$0x1E800] =	vst v63  }
0x1a: {  	_ =	swait.ge [sflag:s14], $0x1400  }
0x1b: {  	[sflag:s14] =	ssyncset.done $0x0  }
0x1c: {  	[sflag:s14] =	ssyncadd.s32 $0xFFFFEC00  }
0x1d: {  	[tilespmem:s15], [sflag:$0x5] =	stream.linear.gather [hbm4b:s8+s3], $0x1400, $0x38;
	[tilespmem:$0x1E800] =	vst v63  }
0x1e: {  	_ =	swait.ge [sflag:s14], $0x1400  }
0x1f: {  	[sflag:s14] =	ssyncset.done $0x0  }
0x20: {  	[sflag:s14] =	ssyncadd.s32 $0xFFFFEC00  }
0x21: {  	[tilespmem:s17], [sflag:$0x1] =	stream.indirect.gather [hbm4b:s4+s16], $0x80, s3, s16, $0xb8;
	[tilespmem:$0x1E800] =	vst v63  }
0x22: {  	s28 =	simm.s32 $0x80  }
0x23: {  	[tilespmem:s18], [sflag:$0x2] =	stream.indirect.gather [hbm4b:s4+s16], $0x80, s28, s16, $0xb8;
	[tilespmem:$0x1E800] =	vst v63  }
0x24: {  	_ =	swait.ge [sflag:s19], $0x4000  }
0x25: {  	[sflag:s19] =	ssyncset.done $0x0  }
0x26: {  	s28 =	simm.s32 $0x1400;
	[sflag:s19] =	ssyncadd.s32 $0xFFFFC000  }
0x27: {  	[spmem:s1] =	stream.indirect.scatter.add.f32 [tilespmem:s17], [sflag:$0x3], $0x80, s28, s16, $0xb8;
	[tilespmem:$0x1E800] =	vst v63  }
0x28: {  	_ =	swait.ge [sflag:s20], $0x4000  }
0x29: {  	[sflag:s20] =	ssyncset.done $0x0  }
0x2a: {  	s28 =	simm.s32 $0x1480;
	[sflag:s20] =	ssyncadd.s32 $0xFFFFC000  }
0x2b: {  	[spmem:s1] =	stream.indirect.scatter.add.f32 [tilespmem:s18], [sflag:$0x4], $0x80, s28, s16, $0xb8;
	[tilespmem:$0x1E800] =	vst v63  }
0x2c: {  	_ =	swait.ge [sflag:s21], $0x4000  }
0x2d: {  	[sflag:s21] =	ssyncset.done $0x0  }
0x2e: {  	s28 =	simm.s32 $0x100;
	[sflag:s21] =	ssyncadd.s32 $0xFFFFC000  }
0x2f: {  	[tilespmem:s17], [sflag:$0x1] =	stream.indirect.gather [hbm4b:s4+s16], $0x80, s28, s16, $0xb8;
	[tilespmem:$0x1E800] =	vst v63  }
0x30: {  	_ =	swait.ge [sflag:s22], $0x4000  }
0x31: {  	s29 =	simm.s32 $0x800;
	s28 =	simm.s32 $0x100;
	[sflag:s22] =	ssyncset.done $0x0  }
.LBB2_2:
0x32: {  	s30 =	sadd.s32 $0x80, s28  }
0x33: {  	[sflag:s22] =	ssyncadd.s32 $0xFFFFC000;
	s31 =	smov.u32 s29;
	s0 =	sadd.s32 $0x400, s29  }
0x34: {  	[tilespmem:s18], [sflag:$0x2] =	stream.indirect.gather [hbm4b:s4+s16], $0x80, s30, s16, $0xb8;
	[tilespmem:$0x1E800] =	vst v63  }
0x35: {  	p0 =	sne.s32 s29, $0x4800;
	_ =	swait.ge [sflag:s19], $0x4000  }
0x36: {  	[sflag:s19] =	ssyncset.done $0x0  }
0x37: {  	s29 =	sadd.s32 $0x1400, s28;
	[sflag:s19] =	ssyncadd.s32 $0xFFFFC000  }
0x38: {  	[spmem:s1] =	stream.indirect.scatter.add.f32 [tilespmem:s17], [sflag:$0x3], $0x80, s29, s16, $0xb8;
	[tilespmem:$0x1E800] =	vst v63  }
0x39: {  	_ =	swait.ge [sflag:s20], $0x4000  }
0x3a: {  	[sflag:s20] =	ssyncset.done $0x0  }
0x3b: {  	s29 =	sadd.s32 $0x1480, s28;
	[sflag:s20] =	ssyncadd.s32 $0xFFFFC000  }
0x3c: {  	[spmem:s1] =	stream.indirect.scatter.add.f32 [tilespmem:s18], [sflag:$0x4], $0x80, s29, s16, $0xb8;
	[tilespmem:$0x1E800] =	vst v63  }
0x3d: {  	_ =	swait.ge [sflag:s21], $0x4000  }
.Ltmp0:
0x3e: {  	[sflag:s21] =	ssyncset.done $0x0;
	(pc) =	sbr.rel @p0 .LBB2_2-.Ltmp0, $4  }
0x3f: {  	s28 =	sadd.s32 $0x100, s28;
	[sflag:s21] =	ssyncadd.s32 $0xFFFFC000  }
0x40: {  	[tilespmem:s17], [sflag:$0x1] =	stream.indirect.gather [hbm4b:s4+s16], $0x80, s28, s16, $0xb8;
	[tilespmem:$0x1E800] =	vst v63  }
0x41: {  	_ =	swait.ge [sflag:s22], $0x4000  }
0x42: {  	s29 =	smov.u32 s0;
	s28 =	sshra.s32 s31, $0x2;
	[sflag:s22] =	ssyncset.done $0x0  }
0x43: {  	s0 =	sadd.s32 $0x80, s28;
	[sflag:s22] =	ssyncadd.s32 $0xFFFFC000  }
0x44: {  	[tilespmem:s18], [sflag:$0x2] =	stream.indirect.gather [hbm4b:s4+s16], $0x80, s0, s16, $0xb8;
	[tilespmem:$0x1E800] =	vst v63  }
0x45: {  	_ =	swait.ge [sflag:s19], $0x4000  }
0x46: {  	[sflag:s19] =	ssyncset.done $0x0  }
0x47: {  	s30 =	sadd.s32 $0x1400, s28;
	[sflag:s19] =	ssyncadd.s32 $0xFFFFC000  }
0x48: {  	[spmem:s1] =	stream.indirect.scatter.add.f32 [tilespmem:s17], [sflag:$0x3], $0x80, s30, s16, $0xb8;
	[tilespmem:$0x1E800] =	vst v63  }
0x49: {  	_ =	swait.ge [sflag:s20], $0x4000  }
0x4a: {  	[sflag:s20] =	ssyncset.done $0x0  }
0x4b: {  	s31 =	sadd.s32 $0x1480, s28;
	[sflag:s20] =	ssyncadd.s32 $0xFFFFC000  }
0x4c: {  	[spmem:s1] =	stream.indirect.scatter.add.f32 [tilespmem:s18], [sflag:$0x4], $0x80, s31, s16, $0xb8;
	[tilespmem:$0x1E800] =	vst v63  }
0x4d: {  	_ =	swait.ge [sflag:s21], $0x4000  }
0x4e: {  	[sflag:s21] =	ssyncset.done $0x0  }
0x4f: {  	s30 =	sadd.s32 $0x100, s28;
	[sflag:s21] =	ssyncadd.s32 $0xFFFFC000  }
0x50: {  	[tilespmem:s17], [sflag:$0x1] =	stream.indirect.gather [hbm4b:s4+s16], $0x80, s30, s16, $0xb8;
	[tilespmem:$0x1E800] =	vst v63  }
0x51: {  	_ =	swait.ge [sflag:s22], $0x4000  }
0x52: {  	[sflag:s22] =	ssyncset.done $0x0  }
0x53: {  	[sflag:s22] =	ssyncadd.s32 $0xFFFFC000  }
0x54: {  	[tilespmem:s18], [sflag:$0x2] =	stream.indirect.gather [hbm4b:s4+s16], $0x80, s23, s16, $0xb8;
	[tilespmem:$0x1E800] =	vst v63  }
0x55: {  	_ =	swait.ge [sflag:s19], $0x4000  }
0x56: {  	[sflag:s19] =	ssyncset.done $0x0  }
0x57: {  	[sflag:s19] =	ssyncadd.s32 $0xFFFFC000  }
0x58: {  	[spmem:s1] =	stream.indirect.scatter.add.f32 [tilespmem:s17], [sflag:$0x3], $0x80, s24, s16, $0xb8;
	[tilespmem:$0x1E800] =	vst v63  }
0x59: {  	_ =	swait.ge [sflag:s20], $0x4000  }
0x5a: {  	[sflag:s20] =	ssyncset.done $0x0  }
0x5b: {  	[sflag:s20] =	ssyncadd.s32 $0xFFFFC000  }
0x5c: {  	[spmem:s1] =	stream.indirect.scatter.add.f32 [tilespmem:s18], [sflag:$0x4], $0x80, s25, s16, $0xb8;
	[tilespmem:$0x1E800] =	vst v63  }
0x5d: {  	_ =	swait.ge [sflag:s21], $0x4000  }
0x5e: {  	[sflag:s21] =	ssyncset.done $0x0  }
0x5f: {  	[sflag:s21] =	ssyncadd.s32 $0xFFFFC000  }
0x60: {  	_ =	swait.ge [sflag:s22], $0x4000  }
0x61: {  	[sflag:s22] =	ssyncset.done $0x0  }
0x62: {  	s31 =	simm.s32 $0x0;
	[sflag:s22] =	ssyncadd.s32 $0xFFFFC000  }
0x63: {  	[tilespmem:s31], [sflag:$0x5] =	stream.linear.gather [hbm4b:s9+s31], $0x1400, $0x38;
	[tilespmem:$0x1E800] =	vst v63  }
0x64: {  	_ =	swait.ge [sflag:s14], $0x1400  }
0x65: {  	[sflag:s14] =	ssyncset.done $0x0  }
0x66: {  	[sflag:s14] =	ssyncadd.s32 $0xFFFFEC00  }
0x67: {  	[tilespmem:s15], [sflag:$0x5] =	stream.linear.gather [hbm4b:s10+s31], $0x1400, $0x38;
	[tilespmem:$0x1E800] =	vst v63  }
0x68: {  	_ =	swait.ge [sflag:s14], $0x1400  }
0x69: {  	[sflag:s14] =	ssyncset.done $0x0  }
0x6a: {  	[sflag:s14] =	ssyncadd.s32 $0xFFFFEC00  }
0x6b: {  	[tilespmem:s17], [sflag:$0x1] =	stream.indirect.gather [hbm4b:s4+s16], $0x80, s31, s16, $0xb8;
	[tilespmem:$0x1E800] =	vst v63  }
0x6c: {  	s30 =	simm.s32 $0x80  }
0x6d: {  	[tilespmem:s18], [sflag:$0x2] =	stream.indirect.gather [hbm4b:s4+s16], $0x80, s30, s16, $0xb8;
	[tilespmem:$0x1E800] =	vst v63  }
0x6e: {  	_ =	swait.ge [sflag:s19], $0x4000  }
0x6f: {  	[sflag:s19] =	ssyncset.done $0x0  }
0x70: {  	s31 =	simm.s32 $0x1400;
	[sflag:s19] =	ssyncadd.s32 $0xFFFFC000  }
0x71: {  	[spmem:s1] =	stream.indirect.scatter.add.f32 [tilespmem:s17], [sflag:$0x3], $0x80, s31, s16, $0xb8;
	[tilespmem:$0x1E800] =	vst v63  }
0x72: {  	_ =	swait.ge [sflag:s20], $0x4000  }
0x73: {  	[sflag:s20] =	ssyncset.done $0x0  }
0x74: {  	s30 =	simm.s32 $0x1480;
	[sflag:s20] =	ssyncadd.s32 $0xFFFFC000  }
0x75: {  	[spmem:s1] =	stream.indirect.scatter.add.f32 [tilespmem:s18], [sflag:$0x4], $0x80, s30, s16, $0xb8;
	[tilespmem:$0x1E800] =	vst v63  }
0x76: {  	_ =	swait.ge [sflag:s21], $0x4000  }
0x77: {  	[sflag:s21] =	ssyncset.done $0x0  }
0x78: {  	s31 =	simm.s32 $0x100;
	[sflag:s21] =	ssyncadd.s32 $0xFFFFC000  }
0x79: {  	[tilespmem:s17], [sflag:$0x1] =	stream.indirect.gather [hbm4b:s4+s16], $0x80, s31, s16, $0xb8;
	[tilespmem:$0x1E800] =	vst v63  }
0x7a: {  	_ =	swait.ge [sflag:s22], $0x4000  }
0x7b: {  	s29 =	simm.s32 $0x800;
	s28 =	simm.s32 $0x100;
	[sflag:s22] =	ssyncset.done $0x0  }
.LBB2_4:
0x7c: {  	s0 =	sadd.s32 $0x80, s28  }
0x7d: {  	[sflag:s22] =	ssyncadd.s32 $0xFFFFC000;
	s30 =	smov.u32 s29;
	s31 =	sadd.s32 $0x400, s29  }
0x7e: {  	[tilespmem:s18], [sflag:$0x2] =	stream.indirect.gather [hbm4b:s4+s16], $0x80, s0, s16, $0xb8;
	[tilespmem:$0x1E800] =	vst v63  }
0x7f: {  	p0 =	sne.s32 s29, $0x4800;
	_ =	swait.ge [sflag:s19], $0x4000  }
0x80: {  	[sflag:s19] =	ssyncset.done $0x0  }
0x81: {  	s0 =	sadd.s32 $0x1400, s28;
	[sflag:s19] =	ssyncadd.s32 $0xFFFFC000  }
0x82: {  	[spmem:s1] =	stream.indirect.scatter.add.f32 [tilespmem:s17], [sflag:$0x3], $0x80, s0, s16, $0xb8;
	[tilespmem:$0x1E800] =	vst v63  }
0x83: {  	_ =	swait.ge [sflag:s20], $0x4000  }
0x84: {  	[sflag:s20] =	ssyncset.done $0x0  }
0x85: {  	s0 =	sadd.s32 $0x1480, s28;
	[sflag:s20] =	ssyncadd.s32 $0xFFFFC000  }
0x86: {  	[spmem:s1] =	stream.indirect.scatter.add.f32 [tilespmem:s18], [sflag:$0x4], $0x80, s0, s16, $0xb8;
	[tilespmem:$0x1E800] =	vst v63  }
0x87: {  	_ =	swait.ge [sflag:s21], $0x4000  }
.Ltmp1:
0x88: {  	[sflag:s21] =	ssyncset.done $0x0;
	(pc) =	sbr.rel @p0 .LBB2_4-.Ltmp1, $4  }
0x89: {  	s0 =	sadd.s32 $0x100, s28;
	[sflag:s21] =	ssyncadd.s32 $0xFFFFC000  }
0x8a: {  	[tilespmem:s17], [sflag:$0x1] =	stream.indirect.gather [hbm4b:s4+s16], $0x80, s0, s16, $0xb8;
	[tilespmem:$0x1E800] =	vst v63  }
0x8b: {  	_ =	swait.ge [sflag:s22], $0x4000  }
0x8c: {  	s29 =	smov.u32 s31;
	s28 =	sshra.s32 s30, $0x2;
	[sflag:s22] =	ssyncset.done $0x0  }
0x8d: {  	s0 =	sadd.s32 $0x80, s28;
	[sflag:s22] =	ssyncadd.s32 $0xFFFFC000  }
0x8e: {  	[tilespmem:s18], [sflag:$0x2] =	stream.indirect.gather [hbm4b:s4+s16], $0x80, s0, s16, $0xb8;
	[tilespmem:$0x1E800] =	vst v63  }
0x8f: {  	_ =	swait.ge [sflag:s19], $0x4000  }
0x90: {  	[sflag:s19] =	ssyncset.done $0x0  }
0x91: {  	s29 =	sadd.s32 $0x1400, s28;
	[sflag:s19] =	ssyncadd.s32 $0xFFFFC000  }
0x92: {  	[spmem:s1] =	stream.indirect.scatter.add.f32 [tilespmem:s17], [sflag:$0x3], $0x80, s29, s16, $0xb8;
	[tilespmem:$0x1E800] =	vst v63  }
0x93: {  	_ =	swait.ge [sflag:s20], $0x4000  }
0x94: {  	[sflag:s20] =	ssyncset.done $0x0  }
0x95: {  	s30 =	sadd.s32 $0x1480, s28;
	[sflag:s20] =	ssyncadd.s32 $0xFFFFC000  }
0x96: {  	[spmem:s1] =	stream.indirect.scatter.add.f32 [tilespmem:s18], [sflag:$0x4], $0x80, s30, s16, $0xb8;
	[tilespmem:$0x1E800] =	vst v63  }
0x97: {  	_ =	swait.ge [sflag:s21], $0x4000  }
0x98: {  	[sflag:s21] =	ssyncset.done $0x0  }
0x99: {  	s31 =	sadd.s32 $0x100, s28;
	[sflag:s21] =	ssyncadd.s32 $0xFFFFC000  }
0x9a: {  	[tilespmem:s17], [sflag:$0x1] =	stream.indirect.gather [hbm4b:s4+s16], $0x80, s31, s16, $0xb8;
	[tilespmem:$0x1E800] =	vst v63  }
0x9b: {  	_ =	swait.ge [sflag:s22], $0x4000  }
0x9c: {  	[sflag:s22] =	ssyncset.done $0x0  }
0x9d: {  	[sflag:s22] =	ssyncadd.s32 $0xFFFFC000  }
0x9e: {  	[tilespmem:s18], [sflag:$0x2] =	stream.indirect.gather [hbm4b:s4+s16], $0x80, s23, s16, $0xb8;
	[tilespmem:$0x1E800] =	vst v63  }
0x9f: {  	_ =	swait.ge [sflag:s19], $0x4000  }
0xa0: {  	[sflag:s19] =	ssyncset.done $0x0  }
0xa1: {  	[sflag:s19] =	ssyncadd.s32 $0xFFFFC000  }
0xa2: {  	[spmem:s1] =	stream.indirect.scatter.add.f32 [tilespmem:s17], [sflag:$0x3], $0x80, s24, s16, $0xb8;
	[tilespmem:$0x1E800] =	vst v63  }
0xa3: {  	_ =	swait.ge [sflag:s20], $0x4000  }
0xa4: {  	[sflag:s20] =	ssyncset.done $0x0  }
0xa5: {  	[sflag:s20] =	ssyncadd.s32 $0xFFFFC000  }
0xa6: {  	[spmem:s1] =	stream.indirect.scatter.add.f32 [tilespmem:s18], [sflag:$0x4], $0x80, s25, s16, $0xb8;
	[tilespmem:$0x1E800] =	vst v63  }
0xa7: {  	_ =	swait.ge [sflag:s21], $0x4000  }
0xa8: {  	[sflag:s21] =	ssyncset.done $0x0  }
0xa9: {  	[sflag:s21] =	ssyncadd.s32 $0xFFFFC000  }
0xaa: {  	_ =	swait.ge [sflag:s22], $0x4000  }
0xab: {  	s26 =	sadd.s32 $0x1, s26;
	[sflag:s22] =	ssyncset.done $0x0  }
0xac: {  	p0 =	sne.s32 s26, s12;
	[sflag:s22] =	ssyncadd.s32 $0xFFFFC000  }
.Ltmp2:
0xad: {  	[bflag:$0x0] =	sbarrier.arrive $0xFFFF;
	(pc) =	sbr.rel @p0 .LBB2_1-.Ltmp2, $4  }
0xae: {  	[hbm:s11], [sflag:s6] =	dma.local [spmem:s13], $0x2800  }
0xaf: {  	_ =	swait.ge [sflag:s14], $0x2800  }
0xb0: {  	[sflag:s14] =	ssyncset.done $0x0  }
0xb1: {  	[sflag:s14] =	ssyncadd.s32 $0xFFFFD800  }
0xb2: {  	_ =	sfence.sel $0x180000  }
0xb3: {  	[bflag:$0x0] =	sbarrier.arrive $0xFFFF  }
0xb4: {  	_ =	strace $0x9000004D  }
0xb5: {  	[bflag:$0x2] =	sbarrier.arrive $0xFFFF  }
0xb6: {  	p0 =	sne.s32 s2, $0x0;
	s0 =	rddreg [dreg:$0x3]  }
0xb7: {  	s0 =	sadd.s32 @!p0 $0x100000, s0  }
0xb8: {  	[sflag:s0] =	ssyncadd.tile.s32 @!p0 $0x1;
	_ =	shalt  }
.Lfunc_end2:
_tile_overlayer_lowered:
.L_overlay_start_2:
0xb9: {  	(tag) =	ssettag $0x2  }
0xba: {  	s0 =	rddreg [dreg:$0x0];
	s2 =	stileid.u32  }
0xbb: {  	s1 =	rddreg [dreg:$0x1];
	p0 =	sne.s32 s2, $0x0  }
0xbc: {  	s3 =	rddreg [dreg:$0x2];
	[bflag:$0x3] =	sbarrier.arrive $0xFFFF;
	s2 =	simm.s32 @!p0 $0x1C05  }
0xbd: {  	[timem:s3], [sflag:s2] =	dma.local @!p0 [hbm:s0], s1  }
0xbe: {  	s0 =	simm.s32 @!p0 $0x5  }
0xbf: {  	_ =	swait.ge @!p0 [sflag:s0], s1  }
0xc0: {  	s1 =	ssub.s32 @!p0 $0x0, s1;
	[sflag:s0] =	ssyncset.done @!p0 $0x0  }
0xc1: {  	[sflag:s0] =	ssyncadd.s32 @!p0 s1  }
0xc2: {  	[bflag:$0x3] =	sbarrier.arrive $0xFFFF  }
0xc3: {  	_ =	shalt  }

// kernel: kernel.8.cloned.1.call-start
scs
__scs_entry_jumppad:
0x0: {  	(pc) =	sbr.rel $0x88, $3  }
0x1: {  	(tag) =	ssettag $0x0;
	lr =	simm.s32 $0x1  }
0x2: {  	[smem:$0x3F9B] =	sst lr;
	_ =	strace $0xD0000000  }
0x3: {  	_ = 	snop  }
0x4: {  	_ = 	snop  }
0x5: {  	_ = 	snop  }
0x6: {  	_ = 	snop  }
0x7: {  	_ = 	snop  }
__scs_overlays_trampoline_lowered:
0x8: {  	[smem:$0x3FAA] =	sst s0  }
0x9: {  	[smem:$0x3FAB] =	sst s1  }
0xa: {  	[smem:$0x3FAC] =	sst s2  }
0xb: {  	[smem:$0x3FAD] =	sst s3  }
0xc: {  	[smem:$0x3FAE] =	sst s4  }
0xd: {  	[smem:$0x3FAF] =	sst s5  }
0xe: {  	[smem:$0x3FB0] =	sst s6  }
0xf: {  	[smem:$0x3FB1] =	sst s7  }
0x10: {  	[smem:$0x3FB2] =	sst s8  }
0x11: {  	[smem:$0x3FB3] =	sst s9;
	s0 =	simm.s32 @!p0 $0x0  }
0x12: {  	s1 =	sld [smem:$0x3F99];
	s0 =	simm.s32 @p0 $0x1  }
0x13: {  	[smem:$0x3FB4] =	sst s0;
	s0 =	simm.s32 @!p1 $0x0  }
0x14: {  	s2 =	sld [smem:$0x3F98];
	s0 =	simm.s32 @p1 $0x1  }
0x15: {  	[smem:$0x3FB5] =	sst s0;
	s0 =	simm.s32 @!p2 $0x0  }
0x16: {  	s3 =	sld [smem:$0x3FDB];
	s0 =	simm.s32 @p2 $0x1  }
0x17: {  	s4 =	simm.s32 $0x1BF5;
	[smem:$0x3FB7] =	sst s0  }
0x18: {  	s0 =	sld [smem:$0x3F9A];
	_ =	swait.ge [sflag:s4], $0x0  }
0x19: {  	s7 =	sld [smem:$0x3F9B]  }
0x1a: {  	s8 =	sadd.s32 $0xFFFFE003, lr  }
0x1b: {  	s9 =	sadd.s32 $0xFFFFFEF7, lr;
	s5 =	simm.s32 $0xFFFFFFFF;
	p2 =	slt.u32 s8, $0xFFFFF086  }
0x1c: {  	p1 =	slt.u32 s9, $0xF7A;
	s5 =	simm.s32 @!p2 $0x0  }
0x1d: {  	s5 =	simm.s32 @p1 $0x1;
	p0 =	seq.s32 s7, s2  }
0x1e: {  	s7 =	smul.u32 @!p0 $0xF7A, s2;
	p2 =	seq.s32 @!p0 s5, $0x0  }
0x1f: {  	s9 =	smul.u32 $0xF7A, s1;
	s8 =	simm.s32 @!p0 $0x1BF5;
	p2 =	por !p2, p0  }
0x20: {  	[sflag:s8] =	ssyncset.s32 @!p0 $0xFFFFF086;
	s6 =	sadd.s32 @!p0 s3, s7;
	s7 =	simm.s32 @!p0 $0x108  }
0x21: {  	s3 =	sadd.s32 s3, s9;
	s6 =	sadd.s32 @!p0 $0x88, s6;
	s7 =	simm.s32 @p2 $0x1082  }
0x22: {  	[simem:s7], [sflag:s8] =	dma.local @!p0 [hbm:s6], $0xF7A  }
0x23: {  	s9 =	sor.u32 $0xD0000000, s2;
	s6 =	simm.s32 $0x108;
	_ =	swait.ge @!p0 [sflag:s8], $0x0  }
0x24: {  	s3 =	sadd.s32 $0x88, s3;
	s6 =	simm.s32 @!p1 $0x1082;
	[sflag:s4] =	ssyncset.s32 $0xFFFFF086  }
0x25: {  	[simem:s6], [sflag:s4] =	dma.local [hbm:s3], $0xF7A  }
0x26: {  	[smem:$0x3F9B] =	sst s1;
	(tag) =	ssettag s2;
	_ =	strace s9  }
0x27: {  	s1 =	sld [smem:$0x3FAB]  }
0x28: {  	s2 =	sld [smem:$0x3FAC]  }
0x29: {  	s4 =	sld [smem:$0x3FAE]  }
0x2a: {  	p0 =	seq.s32 s5, $0x0;
	s5 =	sld [smem:$0x3FAF]  }
0x2b: {  	s6 =	sld [smem:$0x3FB0]  }
0x2c: {  	s7 =	sld [smem:$0x3FB1]  }
0x2d: {  	s3 =	simm.s32 $0x108;
	s8 =	sld [smem:$0x3FB2]  }
0x2e: {  	s3 =	simm.s32 @!p0 $0x1082;
	s9 =	sld [smem:$0x3FB3]  }
0x2f: {  	lr =	sadd.s32 s0, s3;
	s0 =	sld [smem:$0x3FAA]  }
0x30: {  	s3 =	sld [smem:$0x3FAD]  }
0x31: {  	[smem:$0x3FB6] =	sst s10  }
0x32: {  	s10 =	sld [smem:$0x3FB4];
	_ =	sdelay $0x3  }
0x33: {  	p0 =	seq.s32 s10, $0x1;
	s10 =	sld [smem:$0x3FB6];
	_ =	sdelay $0x3  }
0x34: {  	[smem:$0x3FB6] =	sst s10  }
0x35: {  	s10 =	sld [smem:$0x3FB5];
	_ =	sdelay $0x3  }
0x36: {  	p1 =	seq.s32 s10, $0x1;
	s10 =	sld [smem:$0x3FB6];
	_ =	sdelay $0x3  }
0x37: {  	[smem:$0x3FB6] =	sst s10  }
0x38: {  	s10 =	sld [smem:$0x3FB7]  }
0x39: {  	_ = 	snop;
	(pc) =	sbr.ind lr, $3  }
0x3a: {  	_ = 	snop  }
0x3b: {  	_ = 	snop  }
0x3c: {  	p2 =	seq.s32 s10, $0x1;
	s10 =	sld [smem:$0x3FB6]  }
0x3d: {  	_ =	shalt  }
0x3e: {  	_ =	shalt  }
0x3f: {  	_ =	shalt  }
0x40: {  	_ =	shalt  }
0x41: {  	_ =	shalt  }
0x42: {  	_ =	shalt  }
0x43: {  	_ =	shalt  }
0x44: {  	_ =	shalt  }
0x45: {  	_ =	shalt  }
0x46: {  	_ =	shalt  }
0x47: {  	_ =	shalt  }
0x48: {  	_ =	shalt  }
0x49: {  	_ =	shalt  }
0x4a: {  	_ =	shalt  }
0x4b: {  	_ =	shalt  }
0x4c: {  	_ =	shalt  }
0x4d: {  	_ =	shalt  }
0x4e: {  	_ =	shalt  }
0x4f: {  	_ =	shalt  }
0x50: {  	_ =	shalt  }
0x51: {  	_ =	shalt  }
0x52: {  	_ =	shalt  }
0x53: {  	_ =	shalt  }
0x54: {  	_ =	shalt  }
0x55: {  	_ =	shalt  }
0x56: {  	_ =	shalt  }
0x57: {  	_ =	shalt  }
0x58: {  	_ =	shalt  }
0x59: {  	_ =	shalt  }
0x5a: {  	_ =	shalt  }
0x5b: {  	_ =	shalt  }
0x5c: {  	_ =	shalt  }
0x5d: {  	_ =	shalt  }
0x5e: {  	_ =	shalt  }
0x5f: {  	_ =	shalt  }
0x60: {  	_ =	shalt  }
0x61: {  	_ =	shalt  }
0x62: {  	_ =	shalt  }
0x63: {  	_ =	shalt  }
0x64: {  	_ =	shalt  }
0x65: {  	_ =	shalt  }
0x66: {  	_ =	shalt  }
0x67: {  	_ =	shalt  }
0x68: {  	_ =	shalt  }
0x69: {  	_ =	shalt  }
0x6a: {  	_ =	shalt  }
0x6b: {  	_ =	shalt  }
0x6c: {  	_ =	shalt  }
0x6d: {  	_ =	shalt  }
0x6e: {  	_ =	shalt  }
0x6f: {  	_ =	shalt  }
0x70: {  	_ =	shalt  }
0x71: {  	_ =	shalt  }
0x72: {  	_ =	shalt  }
0x73: {  	_ =	shalt  }
0x74: {  	_ =	shalt  }
0x75: {  	_ =	shalt  }
0x76: {  	_ =	shalt  }
0x77: {  	_ =	shalt  }
0x78: {  	_ =	shalt  }
0x79: {  	_ =	shalt  }
0x7a: {  	_ =	shalt  }
0x7b: {  	_ =	shalt  }
0x7c: {  	_ =	shalt  }
0x7d: {  	_ =	shalt  }
0x7e: {  	_ =	shalt  }
0x7f: {  	_ =	shalt  }
0x80: {  	_ =	shalt  }
0x81: {  	_ =	shalt  }
0x82: {  	_ =	shalt  }
0x83: {  	_ =	shalt  }
0x84: {  	_ =	shalt  }
0x85: {  	_ =	shalt  }
0x86: {  	_ =	shalt  }
0x87: {  	_ =	shalt  }
.Lfunc_end0:
.L_simem_size_0:
called_computation_lowered:
.L_overlay_start_0:
0x88: {  	s2 =	sld [smem:$0x3FD9]  }
0x89: {  	s3 =	sld [smem:$0x3FFE];
	_ =	sdelay $0x1  }
0x8a: {  	s1 =	srdreg.scid  }
0x8b: {  	s0 =	sand.u32 $0x1, s1  }
0x8c: {  	s16 =	sshll.u32 s0, $0xA;
	s2 =	sadd.s32 s3, s2  }
0x8d: {  	s2 =	sadd.s32 s2, s16  }
0x8e: {  	[smem:$0x3FC2] =	sst s2  }
0x8f: {  	_ = 	snop  }
0x90: {  	(tm) =	ssettm $0x1  }
0x91: {  	s17 =	sld [smem:$0x3FFB];
	_ =	sdelay $0x3  }
0x92: {  	_ =	strace s17  }
0x93: {  	s2 =	sld [smem:$0x3FFC];
	_ =	sdelay $0x3  }
0x94: {  	_ =	strace s2  }
0x95: {  	s2 =	sld [smem:$0x3FFD];
	_ =	sdelay $0x3  }
0x96: {  	_ =	strace s2  }
0x97: {  	_ =	strace $0x8FFFFFFF  }
0x98: {  	s18 =	sld [smem:$0x3FDB];
	_ =	sdelay $0x1  }
0x99: {  	s19 =	simm.s32 $_scs_section_size  }
0x9a: {  	s4 =	simm.s32 $_size__tile_overlayer_lowered;
	s5 =	simm.s32 $_tile_overlayer_lowered  }
0x9b: {  	s22 =	simm.s32 $0x1BFF;
	s21 =	sshll.u32 s5, $0x1;
	s2 =	sadd.s32 s19, s18  }
0x9c: {  	s6 =	simm.s32 $0x0;
	s20 =	sshll.u32 s4, $0x1;
	s4 =	sadd.s32 s21, s2  }
0x9d: {  	[timem:s6], [sflag:s22] =	dma.local [hbm:s4], s20  }
0x9e: {  	_ =	swait.ge [sflag:s22], s20  }
0x9f: {  	s3 =	ssub.s32 $0x0, s20;
	[sflag:s22] =	ssyncset.done $0x0  }
0xa0: {  	[sflag:s22] =	ssyncadd.s32 s3;
	_ =	sdelay $0x1  }
0xa1: {  	s23 =	simm.s32 $0x1B8B  }
0xa2: {  	_ =	swait.ge [sflag:s23], $0x1  }
0xa3: {  	[sflag:s23] =	ssyncset.done $0x0  }
0xa4: {  	s25 =	simm.s32 $0x1B8E;
	s24 =	sld [smem:$0x3FFE];
	[sflag:s23] =	ssyncadd.s32 $0xFFFFFFFF  }
0xa5: {  	s26 =	simm.s32 $execute0_lowered;
	[smem:$0x3FD2] =	sst s25  }
0xa6: {  	s4 =	sshll.u32 s26, $0x1;
	_ =	strace $0x80000046;
	[dreg:$0x1] =	wrdreg $0xFFFFFFFF  }
0xa7: {  	s28 =	simm.s32 $_size_execute0_lowered;
	s2 =	sadd.s32 s2, s4;
	[dreg:$0x0] =	wrdreg $0x0  }
0xa8: {  	s4 =	sshll.u32 s28, $0x1;
	[dreg:$0x2] =	wrdreg s2  }
0xa9: {  	[dreg:$0x3] =	wrdreg s4  }
0xaa: {  	[dreg:$0x4] =	wrdreg $0xC0  }
0xab: {  	_ =	task [dreg:s6], $0x5FFFF  }
0xac: {  	[dreg:$0x1] =	wrdreg $0xFFFFFFFF  }
0xad: {  	[dreg:$0x0] =	wrdreg $0x60  }
0xae: {  	[dreg:$0x2] =	wrdreg s24  }
0xaf: {  	[dreg:$0x3] =	wrdreg $0x68000  }
0xb0: {  	[dreg:$0x4] =	wrdreg $0x9  }
0xb1: {  	_ =	task.clear_ibuf [dreg:s6], $0x5FFFF;
	_ =	strace $0x90000046  }
0xb2: {  	s29 =	simm.s32 $0x9;
	_ =	strace $0x80000048  }
0xb3: {  	_ =	swait.ge [sflag:s29], $0x1  }
0xb4: {  	[sflag:s29] =	ssyncadd.s32 $0xFFFFFFFF  }
0xb5: {  	_ =	strace $0x90000048  }
0xb6: {  	_ =	sfence  }
0xb7: {  	s30 =	sld [smem:$0x0];
	_ =	sdelay $0x2  }
0xb8: {  	s31 =	sshll.u32 s1, $0xD;
	s1 =	sshrl.u32 s1, $0x2  }
0xb9: {  	s3 =	sand.u32 $0x4000, s31;
	s1 =	sadd.s32 s1, s30  }
0xba: {  	s0 =	sor.u32 s3, s0;
	s1 =	sshll.u32 s1, $0x11  }
0xbb: {  	s0 =	sor.u32 s1, s0  }
0xbc: {  	s0 =	sadd.s32 $0x8F2B, s0  }
0xbd: {  	[sflag:s0] =	ssyncadd.remote.s32 $0x1  }
0xbe: {  	_ =	sfence.sel $0xFFFF  }
0xbf: {  	[dreg:$0x0] =	wrdreg $0xFFFFFFFF;
	(pc) =	sbr.abs _section_cstart, $3  }
0xc0: {  	[dreg:$0x1] =	wrdreg $0xFFFFFFFF  }
0xc1: {  	_ =	task.clear_ibuf [dreg:s6], $0x2FFFF;
	_ =	strace $0x9FFFFFFF  }
0xc2: {  	(tm) =	ssettm $0x7FFFFFFF  }
0xc3: {  	_ =	shalt  }
tec
execute0_lowered:
.L_overlay_start_1:
0x0: {  	(tag) =	ssettag $0x1  }
0x1: {  	s1 =	srdreg.scid;
	s6 =	rddreg [dreg:$0x0]  }
0x2: {  	s0 =	stileid.u32;
	s2 =	rddreg [dreg:$0x1];
	s3 =	simm.s32 $0x0  }
0x3: {  	s13 =	simm.s32 $0x80;
	s14 =	simm.s32 $0x100;
	s15 =	simm.s32 $0x1  }
0x4: {  	s16 =	simm.s32 $0x0;
	s5 =	sand.u32 $0x1, s1;
	s8 =	smul.u32 $0x14000, s0  }
0x5: {  	s28 =	sshll.u32 s0, $0x1;
	[smem:$0x7FF] =	sst s3;
	s10 =	smul.u32 $0x50000, s0  }
0x6: {  	s11 =	sshll.u32 s0, $0x6;
	s1 =	sor.u32 s5, s28;
	s7 =	smul.u32 $0x140000, s5  }
0x7: {  	s29 =	ssub.s32 $0x2, s5;
	s5 =	sadd.s32 $0xCE00, s6;
	s11 =	sor.u32 $0x1C02, s11  }
0x8: {  	s4 =	smul.u32 $0x500, s1;
	s1 =	rddreg [dreg:$0x2];
	_ =	strace $0x80000047  }
0x9: {  	s30 =	sshrl.u32 s29, $0x1;
	s31 =	sshrl.u32 s10, $0x2;
	s10 =	simm.s32 $0x2800  }
0xa: {  	s7 =	sadd.s32 s8, s7;
	s8 =	ssub.s32 s29, s30;
	s12 =	sadd.s32 s31, s2  }
0xb: {  	s9 =	sadd.s32 s4, s6;
	s4 =	sadd.s32 $0xC600, s6;
	s7 =	sshrl.u32 s7, $0x3  }
0xc: {  	s8 =	smax.u32 s8, $0x1;
	s12 =	sshrl.u32 s12, $0x3;
	s7 =	sadd.s32 s7, s6  }
0xd: {  	s6 =	sadd.s32 $0x2600, s9;
	s9 =	simm.s32 $0x2;
	s7 =	sadd.s32 $0xF600, s7  }
.LBB2_1:
0xe: {  	[tilespmem:s3], [sflag:$0x2] =	stream.linear.gather [hbm4b:s6+s3], $0x2800, $0x38;
	[tilespmem:$0x1A800] =	vst v63  }
0xf: {  	_ =	swait.ge [sflag:s9], $0x2800  }
0x10: {  	[sflag:s9] =	ssyncset.done $0x0  }
0x11: {  	[sflag:s9] =	ssyncadd.s32 $0xFFFFD800  }
0x12: {  	[tilespmem:s10], [sflag:$0x2] =	stream.linear.gather [hbm4b:s4+s3], $0x4000, $0x38;
	[tilespmem:$0x1A800] =	vst v63  }
0x13: {  	_ =	swait.ge [sflag:s9], $0x4000  }
0x14: {  	[sflag:s9] =	ssyncset.done $0x0  }
0x15: {  	[sflag:s9] =	ssyncadd.s32 $0xFFFFC000  }
0x16: {  	[spmem:s12], [sflag:s11] =	dma.local [hbm:s5], $0x2800  }
0x17: {  	_ =	swait.ge [sflag:s9], $0x2800  }
0x18: {  	[sflag:s9] =	ssyncset.done $0x0  }
0x19: {  	[sflag:s9] =	ssyncadd.s32 $0xFFFFD800  }
0x1a: {  	[bflag:$0x0] =	sbarrier.arrive $0xFFFF  }
0x1b: {  	[spmem:s2] =	stream.indirect.scatter.add.f32 [tilespmem:s10], [sflag:$0x1], $0x80, s3, s13, $0xb8;
	[tilespmem:$0x1A800] =	vst v63  }
0x1c: {  	_ = 	snop  }
0x1d: {  	[spmem:s2] =	stream.indirect.scatter.add.f32 [tilespmem:s10], [sflag:$0x1], $0x80, s13, s13, $0xb8;
	[tilespmem:$0x1A800] =	vst v63  }
0x1e: {  	p0 =	por $0x0, $0x0  }
0x1f: {  	[spmem:s2] =	stream.indirect.scatter.add.f32 [tilespmem:s10], [sflag:$0x1], $0x80, s14, s13, $0xb8;
	[tilespmem:$0x1A800] =	vst v63  }
0x20: {  	s17 =	simm.s32 $0x180;
	s18 =	simm.s32 @!p0 $0x80;
	s19 =	simm.s32 @!p0 $0x2800  }
0x21: {  	[spmem:s2] =	stream.indirect.scatter.add.f32 @!p0 [tilespmem:s19], [sflag:$0x1], $0x80, s17, s18, $0xb8;
	[tilespmem:$0x1A800] =	vst v63  }
0x22: {  	_ =	swait.ge [sflag:s15], $0x4000  }
0x23: {  	s18 =	simm.s32 $0x1;
	[sflag:s15] =	ssyncset.done $0x0  }
.LBB2_2:
0x24: {  	s19 =	smov.u32 s18;
	s18 =	sadd.s32 $0x1, s18  }
0x25: {  	[sflag:s15] =	ssyncadd.s32 $0xFFFFC000;
	s17 =	sadd.s32 $0x80, s17;
	p1 =	sne.s32 s18, $0x50  }
.Ltmp0:
0x26: {  	p0 =	sgt.u32 s19, $0x4C;
	(pc) =	sbr.rel @p1 .LBB2_2-.Ltmp0, $4  }
0x27: {  	s19 =	simm.s32 @!p0 $0x80;
	s20 =	simm.s32 @!p0 $0x2800  }
0x28: {  	[spmem:s2] =	stream.indirect.scatter.add.f32 @!p0 [tilespmem:s20], [sflag:$0x1], $0x80, s17, s19, $0xb8;
	[tilespmem:$0x1A800] =	vst v63  }
0x29: {  	_ =	swait.ge [sflag:s15], $0x4000  }
0x2a: {  	[sflag:s15] =	ssyncset.done $0x0  }
0x2b: {  	s16 =	sadd.s32 $0x1, s16  }
0x2c: {  	[sflag:s15] =	ssyncadd.s32 $0xFFFFC000;
	p0 =	sne.s32 s16, s8  }
.Ltmp1:
0x2d: {  	[bflag:$0x0] =	sbarrier.arrive $0xFFFF;
	(pc) =	sbr.rel @p0 .LBB2_1-.Ltmp1, $4  }
0x2e: {  	[hbm:s7], [sflag:s11] =	dma.local [spmem:s12], $0x2800  }
0x2f: {  	_ =	swait.ge [sflag:s9], $0x2800  }
0x30: {  	[sflag:s9] =	ssyncset.done $0x0  }
0x31: {  	[sflag:s9] =	ssyncadd.s32 $0xFFFFD800  }
0x32: {  	_ =	sfence.sel $0x180000  }
0x33: {  	[bflag:$0x0] =	sbarrier.arrive $0xFFFF  }
0x34: {  	p0 =	sne.s32 s0, $0x0;
	_ =	strace $0x90000047  }
0x35: {  	s0 =	sadd.s32 @!p0 $0x100000, s1;
	[bflag:$0x2] =	sbarrier.arrive $0xFFFF  }
0x36: {  	[sflag:s0] =	ssyncadd.tile.s32 @!p0 $0x1;
	_ =	shalt  }
.Lfunc_end2:
_tile_overlayer_lowered:
.L_overlay_start_2:
0x37: {  	(tag) =	ssettag $0x2  }
0x38: {  	s0 =	rddreg [dreg:$0x0];
	s2 =	stileid.u32  }
0x39: {  	s1 =	rddreg [dreg:$0x1];
	p0 =	sne.s32 s2, $0x0  }
0x3a: {  	s3 =	rddreg [dreg:$0x2];
	[bflag:$0x3] =	sbarrier.arrive $0xFFFF;
	s2 =	simm.s32 @!p0 $0x1C02  }
0x3b: {  	[timem:s3], [sflag:s2] =	dma.local @!p0 [hbm:s0], s1  }
0x3c: {  	s0 =	simm.s32 @!p0 $0x2  }
0x3d: {  	_ =	swait.ge @!p0 [sflag:s0], s1  }
0x3e: {  	s1 =	ssub.s32 @!p0 $0x0, s1;
	[sflag:s0] =	ssyncset.done @!p0 $0x0  }
0x3f: {  	[sflag:s0] =	ssyncadd.s32 @!p0 s1  }
0x40: {  	[bflag:$0x3] =	sbarrier.arrive $0xFFFF  }
0x41: {  	_ =	shalt  }

</sc_bundles>
